<compile_context>
chip_gen: v7x
topology: tpu7x:2x2x1
jax: 0.10.2.dev20260603
libtpu: 0.0.44.dev20260713+nightly
codegen_flags: <defaults>
</compile_context>

<pallas_src>
import functools

import jax
import jax.numpy as jnp
from jax import lax
from jax.experimental import pallas as pl
from jax.experimental.pallas import tpu as pltpu
from jax.experimental.pallas import tpu_sc as plsc

B, C, H, W = 4, 96, 224, 224
HW = H * W
CP1 = C + 1
NIMG = B * CP1
PAD = 240
ACC_LEN = HW + 2 * PAD
NC, NS = 2, 16
NW = NC * NS
CH = 1792
NCHUNK = HW // CH
NUNIT_B = 49
NB = 4
NUNIT = NB * NUNIT_B
NT = (NUNIT + NW - 1) // NW


def _pre_body(f0_ref, f1_ref, m_ref, idx_ref, w0_ref, w1_ref, w2_ref, w3_ref):
    shp = (1, 1, H, W)
    xs = lax.broadcasted_iota(jnp.int32, shp, 3).astype(jnp.float32)
    ys = lax.broadcasted_iota(jnp.int32, shp, 2).astype(jnp.float32)
    fx = xs + f0_ref[...]
    fy = ys + f1_ref[...]
    nwx = jnp.floor(fx)
    nwy = jnp.floor(fy)
    ix = nwx.astype(jnp.int32)
    iy = nwy.astype(jnp.int32)
    tx = fx - nwx
    ty = fy - nwy
    ex = jnp.exp(m_ref[...])
    vx0 = (ix >= 0) & (ix < W)
    vx1 = (ix >= -1) & (ix < W - 1)
    vy0 = (iy >= 0) & (iy < H)
    vy1 = (iy >= -1) & (iy < H - 1)
    zero = jnp.zeros(shp, jnp.float32)
    w0_ref[...] = jnp.where(vx0 & vy0, (1.0 - tx) * (1.0 - ty) * ex, zero)
    w1_ref[...] = jnp.where(vx1 & vy0, tx * (1.0 - ty) * ex, zero)
    w2_ref[...] = jnp.where(vx0 & vy1, (1.0 - tx) * ty * ex, zero)
    w3_ref[...] = jnp.where(vx1 & vy1, tx * ty * ex, zero)
    oob = (ix < -1) | (ix >= W) | (iy < -1) | (iy >= H)
    idx_ref[...] = jnp.where(oob, 0, iy * W + ix + PAD)


def _precompute(tenFlow, tenMetric):
    img_spec = lambda ch: pl.BlockSpec((1, 1, H, W), lambda b, ch=ch: (b, ch, 0, 0))
    out4 = jax.ShapeDtypeStruct((B, 1, H, W), jnp.float32)
    return pl.pallas_call(
        _pre_body,
        grid=(B,),
        in_specs=[img_spec(0), img_spec(1), img_spec(0)],
        out_specs=[img_spec(0)] * 5,
        out_shape=[jax.ShapeDtypeStruct((B, 1, H, W), jnp.int32),
                   out4, out4, out4, out4],
    )(tenFlow, tenFlow, tenMetric)


def _sc_body(boff, inp_hbm, idx_hbm, w0_hbm, w1_hbm, w2_hbm, w3_hbm, out_hbm,
             acc0, acc1,
             val0b0, val1b0, idxb0, w0b0, w1b0, w2b0, w3b0,
             val0b1, val1b1, idxb1, w0b1, w1b1, w2b1, w3b1,
             sem0, sem1):
    wid = lax.axis_index("s") * NC + lax.axis_index("c")
    slots = ((val0b0, val1b0, idxb0, w0b0, w1b0, w2b0, w3b0, sem0),
             (val0b1, val1b1, idxb1, w0b1, w1b1, w2b1, w3b1, sem1))

    def start_chunk(k, slot, b, c0, single):
        val0b, val1b, idxb, w0b, w1b, w2b, w3b, sem = slots[slot]
        s = k * CH

        @pl.when(jnp.logical_not(single))
        def _():
            pltpu.async_copy(inp_hbm.at[b * C + c0, pl.ds(s, CH)], val0b, sem)
            pltpu.async_copy(inp_hbm.at[b * C + c0 + 1, pl.ds(s, CH)], val1b, sem)
        pltpu.async_copy(idx_hbm.at[b, pl.ds(s, CH)], idxb, sem)
        pltpu.async_copy(w0_hbm.at[b, pl.ds(s, CH)], w0b, sem)
        pltpu.async_copy(w1_hbm.at[b, pl.ds(s, CH)], w1b, sem)
        pltpu.async_copy(w2_hbm.at[b, pl.ds(s, CH)], w2b, sem)
        pltpu.async_copy(w3_hbm.at[b, pl.ds(s, CH)], w3b, sem)

    def wait_chunk(k, slot, b, c0, single):
        val0b, val1b, idxb, w0b, w1b, w2b, w3b, sem = slots[slot]
        s = k * CH

        @pl.when(jnp.logical_not(single))
        def _():
            pltpu.make_async_copy(
                inp_hbm.at[b * C + c0, pl.ds(s, CH)], val0b, sem).wait()
            pltpu.make_async_copy(
                inp_hbm.at[b * C + c0 + 1, pl.ds(s, CH)], val1b, sem).wait()
        pltpu.make_async_copy(idx_hbm.at[b, pl.ds(s, CH)], idxb, sem).wait()
        pltpu.make_async_copy(w0_hbm.at[b, pl.ds(s, CH)], w0b, sem).wait()
        pltpu.make_async_copy(w1_hbm.at[b, pl.ds(s, CH)], w1b, sem).wait()
        pltpu.make_async_copy(w2_hbm.at[b, pl.ds(s, CH)], w2b, sem).wait()
        pltpu.make_async_copy(w3_hbm.at[b, pl.ds(s, CH)], w3b, sem).wait()

    def compute_chunk(slot):
        val0b, val1b, idxb, w0b, w1b, w2b, w3b, sem = slots[slot]

        @plsc.parallel_loop(0, CH // 16, 1, unroll=8)
        def _g(g):
            o = g * 16
            v0 = val0b[pl.ds(o, 16)]
            v1 = val1b[pl.ds(o, 16)]
            ii = idxb[pl.ds(o, 16)]
            i1 = ii + 1
            i2 = ii + W
            i3 = ii + (W + 1)
            w0 = w0b[pl.ds(o, 16)]
            w1 = w1b[pl.ds(o, 16)]
            w2 = w2b[pl.ds(o, 16)]
            w3 = w3b[pl.ds(o, 16)]
            plsc.addupdate_scatter(acc0, [ii], v0 * w0)
            plsc.addupdate_scatter(acc1, [ii], v1 * w0)
            plsc.addupdate_scatter(acc0, [i1], v0 * w1)
            plsc.addupdate_scatter(acc1, [i1], v1 * w1)
            plsc.addupdate_scatter(acc0, [i2], v0 * w2)
            plsc.addupdate_scatter(acc1, [i2], v1 * w2)
            plsc.addupdate_scatter(acc0, [i3], v0 * w3)
            plsc.addupdate_scatter(acc1, [i3], v1 * w3)

    def unit_loop(t, carry):
        u = wid + t * NW

        @pl.when(u < NUNIT)
        def _():
            bl = ((u >= NUNIT_B).astype(jnp.int32)
                  + (u >= 2 * NUNIT_B).astype(jnp.int32)
                  + (u >= 3 * NUNIT_B).astype(jnp.int32))
            b = bl + boff
            j = u - bl * NUNIT_B
            c0 = 2 * j
            single = j == (NUNIT_B - 1)

            start_chunk(0, 0, b, c0, single)
            start_chunk(1, 1, b, c0, single)

            @pl.when(single)
            def _():
                for slot in range(2):
                    for vb in (slots[slot][0], slots[slot][1]):

                        @plsc.parallel_loop(0, CH // 16, 1, unroll=8)
                        def _o(i):
                            vb[pl.ds(i * 16, 16)] = jnp.ones((16,), jnp.float32)

            @plsc.parallel_loop(0, ACC_LEN // 16, 1, unroll=8)
            def _z(i):
                acc0[pl.ds(i * 16, 16)] = jnp.zeros((16,), jnp.float32)
                acc1[pl.ds(i * 16, 16)] = jnp.zeros((16,), jnp.float32)

            def chunk_loop(kk, carry2):
                for slot in range(2):
                    k = kk * 2 + slot
                    wait_chunk(k, slot, b, c0, single)
                    compute_chunk(slot)

                    @pl.when(k + 2 < NCHUNK)
                    def _():
                        start_chunk(k + 2, slot, b, c0, single)
                return carry2
            lax.fori_loop(0, NCHUNK // 2, chunk_loop, 0)

            img0 = bl * CP1 + c0
            cp0 = pltpu.async_copy(acc0.at[pl.ds(PAD, HW)], out_hbm.at[img0],
                                   sem0)

            @pl.when(jnp.logical_not(single))
            def _():
                pltpu.async_copy(acc1.at[pl.ds(PAD, HW)], out_hbm.at[img0 + 1],
                                 sem1)
            cp0.wait()

            @pl.when(jnp.logical_not(single))
            def _():
                pltpu.make_async_copy(acc1.at[pl.ds(PAD, HW)],
                                      out_hbm.at[img0 + 1], sem1).wait()
        return carry
    lax.fori_loop(0, NT, unit_loop, 0)


@functools.lru_cache(maxsize=2)
def _sc_scatter(boff):
  return functools.partial(
    pl.kernel,
    out_type=jax.ShapeDtypeStruct((NB * CP1, HW), jnp.float32),
    mesh=plsc.VectorSubcoreMesh(core_axis_name="c", subcore_axis_name="s",
                                num_cores=NC, num_subcores=NS),
    compiler_params=pltpu.CompilerParams(needs_layout_passes=False,
                                         use_tc_tiling_on_sc=False),
    scratch_types=(
        [pltpu.VMEM((ACC_LEN,), jnp.float32), pltpu.VMEM((ACC_LEN,), jnp.float32)]
        + [pltpu.VMEM((CH,), jnp.float32),
           pltpu.VMEM((CH,), jnp.float32),
           pltpu.VMEM((CH,), jnp.int32),
           pltpu.VMEM((CH,), jnp.float32),
           pltpu.VMEM((CH,), jnp.float32),
           pltpu.VMEM((CH,), jnp.float32),
           pltpu.VMEM((CH,), jnp.float32)] * 2
        + [pltpu.SemaphoreType.DMA, pltpu.SemaphoreType.DMA]
    ),
  )(functools.partial(_sc_body, boff))


def _norm_body(num_ref, den_ref, out_ref):
    den = den_ref[...]
    den = jnp.where(den == 0.0, 1.0, den)
    out_ref[...] = num_ref[...] / den


CG = 32


def _normalize(acc4):
    return pl.pallas_call(
        _norm_body,
        grid=(NB, C // CG),
        in_specs=[pl.BlockSpec((1, CG, H, W), lambda b, c: (b, c, 0, 0)),
                  pl.BlockSpec((1, 1, H, W), lambda b, c: (b, C, 0, 0))],
        out_specs=pl.BlockSpec((1, CG, H, W), lambda b, c: (b, c, 0, 0)),
        out_shape=jax.ShapeDtypeStruct((NB, C, H, W), jnp.float32),
    )(acc4, acc4)


def kernel(tenInput, tenFlow, tenMetric):
    idx4, w04, w14, w24, w34 = _precompute(tenFlow, tenMetric)
    idx = idx4.reshape(B, HW)
    ws = [w.reshape(B, HW) for w in (w04, w14, w24, w34)]
    inp2d = tenInput.reshape(B * C, HW)
    acc = _sc_scatter(0)(inp2d, idx, *ws)
    return _normalize(acc.reshape(NB, CP1, H, W))

# --- scband reference (transcript-rebuilt; emitter-appended) ---
"""Pipeline reference for scband-module-softsplat-5128190951479 (READ-ONLY COPY).

The authoritative reference and input builder live on the scoring server;
editing this copy changes nothing except your own understanding.
"""

import jax, jax.numpy as jnp
import numpy as np

B, C, H, W = 4, 96, 224, 224


def setup_inputs(seed: int = 0):
    key = jax.random.key(seed)
    k1, k2, k3 = jax.random.split(key, 3)
    tenInput = jax.random.normal(k1, (B, C, H, W), dtype=jnp.float32)
    tenFlow = jax.random.normal(k2, (B, 2, H, W), dtype=jnp.float32)
    tenMetric = jax.random.normal(k3, (B, 1, H, W), dtype=jnp.float32)
    return {"tenInput": tenInput, "tenFlow": tenFlow, "tenMetric": tenMetric}


def _softsplat_sum(inp, flow):
    b, c, h, w = inp.shape
    xs = jnp.arange(w, dtype=jnp.float32).reshape(1, 1, w)
    ys = jnp.arange(h, dtype=jnp.float32).reshape(1, h, 1)
    fx = xs + flow[:, 0, :, :]
    fy = ys + flow[:, 1, :, :]
    nwx = jnp.floor(fx)
    nwy = jnp.floor(fy)
    ix = nwx.astype(jnp.int32)
    iy = nwy.astype(jnp.int32)
    wnw = (nwx + 1.0 - fx) * (nwy + 1.0 - fy)
    wne = (fx - nwx) * (nwy + 1.0 - fy)
    wsw = (nwx + 1.0 - fx) * (fy - nwy)
    wse = (fx - nwx) * (fy - nwy)
    vals = jnp.transpose(inp, (0, 2, 3, 1))
    out = jnp.zeros((b * h * w, c), dtype=inp.dtype)
    bidx = jnp.arange(b, dtype=jnp.int32).reshape(b, 1, 1)
    for dx, dy, wt in ((0, 0, wnw), (1, 0, wne), (0, 1, wsw), (1, 1, wse)):
        cx = ix + dx
        cy = iy + dy
        valid = (cx >= 0) & (cx < w) & (cy >= 0) & (cy < h)
        cxc = jnp.clip(cx, 0, w - 1)
        cyc = jnp.clip(cy, 0, h - 1)
        idx = (bidx * h + cyc) * w + cxc
        wv = jnp.where(valid, wt, 0.0)
        contrib = vals * wv[..., None]
        out = out.at[idx.reshape(-1)].add(contrib.reshape(-1, c))
    return jnp.transpose(out.reshape(b, h, w, c), (0, 3, 1, 2))


def reference(tenInput, tenFlow, tenMetric):
    # strType == 'softmax': splat [input * exp(metric), exp(metric)], then normalize
    ex = jnp.exp(tenMetric)
    stacked = jnp.concatenate([tenInput * ex, ex], axis=1)
    out = _softsplat_sum(stacked, tenFlow)
    norm = out[:, -1:, :, :]
    norm = jnp.where(norm == 0.0, 1.0, norm)
    return out[:, :-1, :, :] / norm

if __name__ == "__main__":
    import jax
    _d = setup_inputs()
    print(jax.jit(kernel)(*tuple(_d.values())))

</pallas_src>

<mosaic_0001>
#map = affine_map<(d0, d1) -> (0, 0)>
module attributes {stable_mosaic.version = 14 : i64} {
  func.func @_sc_body(%arg0: i32, %arg1: i32, %arg2: memref<384x50176xf32, #tpu.memory_space<hbm>>, %arg3: memref<4x50176xi32, #tpu.memory_space<hbm>>, %arg4: memref<4x50176xf32, #tpu.memory_space<hbm>>, %arg5: memref<4x50176xf32, #tpu.memory_space<hbm>>, %arg6: memref<4x50176xf32, #tpu.memory_space<hbm>>, %arg7: memref<4x50176xf32, #tpu.memory_space<hbm>>, %arg8: memref<388x50176xf32, #tpu.memory_space<hbm>>, %arg9: memref<50656xf32, #tpu.memory_space<vmem>>, %arg10: memref<50656xf32, #tpu.memory_space<vmem>>, %arg11: memref<1792xf32, #tpu.memory_space<vmem>>, %arg12: memref<1792xf32, #tpu.memory_space<vmem>>, %arg13: memref<1792xi32, #tpu.memory_space<vmem>>, %arg14: memref<1792xf32, #tpu.memory_space<vmem>>, %arg15: memref<1792xf32, #tpu.memory_space<vmem>>, %arg16: memref<1792xf32, #tpu.memory_space<vmem>>, %arg17: memref<1792xf32, #tpu.memory_space<vmem>>, %arg18: memref<1792xf32, #tpu.memory_space<vmem>>, %arg19: memref<1792xf32, #tpu.memory_space<vmem>>, %arg20: memref<1792xi32, #tpu.memory_space<vmem>>, %arg21: memref<1792xf32, #tpu.memory_space<vmem>>, %arg22: memref<1792xf32, #tpu.memory_space<vmem>>, %arg23: memref<1792xf32, #tpu.memory_space<vmem>>, %arg24: memref<1792xf32, #tpu.memory_space<vmem>>, %arg25: memref<!tpu.dma_semaphore, #tpu.memory_space<semaphore_mem>>, %arg26: memref<!tpu.dma_semaphore, #tpu.memory_space<semaphore_mem>>) attributes {dimension_semantics = [#tpu.dimension_semantics<core_parallel>, #tpu.dimension_semantics<subcore_parallel>], iteration_bounds = array<i64: 2, 16>, scalar_prefetch = 0 : i64, scratch_operands = 18 : i64, tpu.core_type = #tpu.core_type<sc_vector_subcore>, window_params = [{transform_indices = #map}, {transform_indices = #map}, {transform_indices = #map}, {transform_indices = #map}, {transform_indices = #map}, {transform_indices = #map}, {transform_indices = #map}]} {
    %mul3A = arith.constant 2 : i32
    %mul3A_0 = arith.muli %arg1, %mul3A : i32
    %add3A = arith.addi %mul3A_0, %arg0 : i32
    %scan3A = arith.constant 0 : i32
    %scan3A_1 = arith.constant 0 : i32
    %scan3A_2 = arith.constant 7 : i32
    %scan3A_3 = arith.addi %scan3A_1, %scan3A_2 : i32
    %scan3A_4 = arith.constant 1 : i32
    scf.for %scan3A_6 = %scan3A_1 to %scan3A_3 step %scan3A_4  : i32 {
      %mul3A_7 = arith.constant 32 : i32
      %mul3A_8 = arith.muli %scan3A_6, %mul3A_7 : i32
      %add3A_9 = arith.addi %add3A, %mul3A_8 : i32
      %lt3A = arith.constant 196 : i32
      %lt3A_10 = arith.cmpi slt, %add3A_9, %lt3A : i32
      %convert_element_type3A = arith.extui %lt3A_10 : i1 to i32
      %cond3A = arith.constant 0 : i32
      %cond3A_11 = arith.cmpi ne, %convert_element_type3A, %cond3A : i32
      scf.if %cond3A_11 {
        %ge3A = arith.constant 49 : i32
        %ge3A_12 = arith.cmpi sge, %add3A_9, %ge3A : i32
        %convert_element_type3A_13 = arith.extui %ge3A_12 : i1 to i32
        %ge3A_14 = arith.constant 98 : i32
        %ge3A_15 = arith.cmpi sge, %add3A_9, %ge3A_14 : i32
        %convert_element_type3A_16 = arith.extui %ge3A_15 : i1 to i32
        %add3A_17 = arith.addi %convert_element_type3A_13, %convert_element_type3A_16 : i32
        %ge3A_18 = arith.constant 147 : i32
        %ge3A_19 = arith.cmpi sge, %add3A_9, %ge3A_18 : i32
        %convert_element_type3A_20 = arith.extui %ge3A_19 : i1 to i32
        %add3A_21 = arith.addi %add3A_17, %convert_element_type3A_20 : i32
        %add3A_22 = arith.constant 0 : i32
        %add3A_23 = arith.addi %add3A_21, %add3A_22 : i32
        %mul3A_24 = arith.constant 49 : i32
        %mul3A_25 = arith.muli %add3A_21, %mul3A_24 : i32
        %sub3A = arith.subi %add3A_9, %mul3A_25 : i32
        %mul3A_26 = arith.constant 2 : i32
        %mul3A_27 = arith.muli %mul3A_26, %sub3A : i32
        %eq3A = arith.constant 48 : i32
        %eq3A_28 = arith.cmpi eq, %sub3A, %eq3A : i32
        %not3A = arith.constant true
        %not3A_29 = arith.xori %eq3A_28, %not3A : i1
        %convert_element_type3A_30 = arith.extui %not3A_29 : i1 to i32
        %cond3A_31 = arith.constant 0 : i32
        %cond3A_32 = arith.cmpi ne, %convert_element_type3A_30, %cond3A_31 : i32
        scf.if %cond3A_32 {
          %mul3A_140 = arith.constant 96 : i32
          %mul3A_141 = arith.muli %add3A_23, %mul3A_140 : i32
          %add3A_142 = arith.addi %mul3A_141, %mul3A_27 : i32
          %dma_start3A_143 = arith.constant 0 : i32
          %dma_start3A_144 = tpu.memref_slice %arg2[%add3A_142, %dma_start3A_143] : memref<384x50176xf32, #tpu.memory_space<hbm>> -> memref<1x1792xf32, #tpu.memory_space<hbm>>
          %dma_start3A_145 = tpu.memref_squeeze %dma_start3A_144 : memref<1x1792xf32, #tpu.memory_space<hbm>> -> memref<1792xf32, #tpu.memory_space<hbm>>
          %dma_start3A_146 = arith.constant 0 : i32
          %dma_start3A_147 = tpu.memref_slice %arg2[%add3A_142, %dma_start3A_146] : memref<384x50176xf32, #tpu.memory_space<hbm>> -> memref<1x1792xf32, #tpu.memory_space<hbm>>
          %dma_start3A_148 = tpu.memref_squeeze %dma_start3A_147 : memref<1x1792xf32, #tpu.memory_space<hbm>> -> memref<1792xf32, #tpu.memory_space<hbm>>
          tpu.enqueue_dma source(%dma_start3A_148 : memref<1792xf32, #tpu.memory_space<hbm>>) target(%arg11 : memref<1792xf32, #tpu.memory_space<vmem>>) target_semaphore(%arg25 : memref<!tpu.dma_semaphore, #tpu.memory_space<semaphore_mem>>)
          %mul3A_149 = arith.constant 96 : i32
          %mul3A_150 = arith.muli %add3A_23, %mul3A_149 : i32
          %add3A_151 = arith.addi %mul3A_150, %mul3A_27 : i32
          %add3A_152 = arith.constant 1 : i32
          %add3A_153 = arith.addi %add3A_151, %add3A_152 : i32
          %dma_start3A_154 = arith.constant 0 : i32
          %dma_start3A_155 = tpu.memref_slice %arg2[%add3A_153, %dma_start3A_154] : memref<384x50176xf32, #tpu.memory_space<hbm>> -> memref<1x1792xf32, #tpu.memory_space<hbm>>
          %dma_start3A_156 = tpu.memref_squeeze %dma_start3A_155 : memref<1x1792xf32, #tpu.memory_space<hbm>> -> memref<1792xf32, #tpu.memory_space<hbm>>
          %dma_start3A_157 = arith.constant 0 : i32
          %dma_start3A_158 = tpu.memref_slice %arg2[%add3A_153, %dma_start3A_157] : memref<384x50176xf32, #tpu.memory_space<hbm>> -> memref<1x1792xf32, #tpu.memory_space<hbm>>
          %dma_start3A_159 = tpu.memref_squeeze %dma_start3A_158 : memref<1x1792xf32, #tpu.memory_space<hbm>> -> memref<1792xf32, #tpu.memory_space<hbm>>
          tpu.enqueue_dma source(%dma_start3A_159 : memref<1792xf32, #tpu.memory_space<hbm>>) target(%arg12 : memref<1792xf32, #tpu.memory_space<vmem>>) target_semaphore(%arg25 : memref<!tpu.dma_semaphore, #tpu.memory_space<semaphore_mem>>)
        } else {
        }
        %dma_start3A = arith.constant 0 : i32
        %dma_start3A_33 = tpu.memref_slice %arg3[%add3A_23, %dma_start3A] : memref<4x50176xi32, #tpu.memory_space<hbm>> -> memref<1x1792xi32, #tpu.memory_space<hbm>>
        %dma_start3A_34 = tpu.memref_squeeze %dma_start3A_33 : memref<1x1792xi32, #tpu.memory_space<hbm>> -> memref<1792xi32, #tpu.memory_space<hbm>>
        %dma_start3A_35 = arith.constant 0 : i32
        %dma_start3A_36 = tpu.memref_slice %arg3[%add3A_23, %dma_start3A_35] : memref<4x50176xi32, #tpu.memory_space<hbm>> -> memref<1x1792xi32, #tpu.memory_space<hbm>>
        %dma_start3A_37 = tpu.memref_squeeze %dma_start3A_36 : memref<1x1792xi32, #tpu.memory_space<hbm>> -> memref<1792xi32, #tpu.memory_space<hbm>>
        tpu.enqueue_dma source(%dma_start3A_37 : memref<1792xi32, #tpu.memory_space<hbm>>) target(%arg13 : memref<1792xi32, #tpu.memory_space<vmem>>) target_semaphore(%arg25 : memref<!tpu.dma_semaphore, #tpu.memory_space<semaphore_mem>>)
        %dma_start3A_38 = arith.constant 0 : i32
        %dma_start3A_39 = tpu.memref_slice %arg4[%add3A_23, %dma_start3A_38] : memref<4x50176xf32, #tpu.memory_space<hbm>> -> memref<1x1792xf32, #tpu.memory_space<hbm>>
        %dma_start3A_40 = tpu.memref_squeeze %dma_start3A_39 : memref<1x1792xf32, #tpu.memory_space<hbm>> -> memref<1792xf32, #tpu.memory_space<hbm>>
        %dma_start3A_41 = arith.constant 0 : i32
        %dma_start3A_42 = tpu.memref_slice %arg4[%add3A_23, %dma_start3A_41] : memref<4x50176xf32, #tpu.memory_space<hbm>> -> memref<1x1792xf32, #tpu.memory_space<hbm>>
        %dma_start3A_43 = tpu.memref_squeeze %dma_start3A_42 : memref<1x1792xf32, #tpu.memory_space<hbm>> -> memref<1792xf32, #tpu.memory_space<hbm>>
        tpu.enqueue_dma source(%dma_start3A_43 : memref<1792xf32, #tpu.memory_space<hbm>>) target(%arg14 : memref<1792xf32, #tpu.memory_space<vmem>>) target_semaphore(%arg25 : memref<!tpu.dma_semaphore, #tpu.memory_space<semaphore_mem>>)
        %dma_start3A_44 = arith.constant 0 : i32
        %dma_start3A_45 = tpu.memref_slice %arg5[%add3A_23, %dma_start3A_44] : memref<4x50176xf32, #tpu.memory_space<hbm>> -> memref<1x1792xf32, #tpu.memory_space<hbm>>
        %dma_start3A_46 = tpu.memref_squeeze %dma_start3A_45 : memref<1x1792xf32, #tpu.memory_space<hbm>> -> memref<1792xf32, #tpu.memory_space<hbm>>
        %dma_start3A_47 = arith.constant 0 : i32
        %dma_start3A_48 = tpu.memref_slice %arg5[%add3A_23, %dma_start3A_47] : memref<4x50176xf32, #tpu.memory_space<hbm>> -> memref<1x1792xf32, #tpu.memory_space<hbm>>
        %dma_start3A_49 = tpu.memref_squeeze %dma_start3A_48 : memref<1x1792xf32, #tpu.memory_space<hbm>> -> memref<1792xf32, #tpu.memory_space<hbm>>
        tpu.enqueue_dma source(%dma_start3A_49 : memref<1792xf32, #tpu.memory_space<hbm>>) target(%arg15 : memref<1792xf32, #tpu.memory_space<vmem>>) target_semaphore(%arg25 : memref<!tpu.dma_semaphore, #tpu.memory_space<semaphore_mem>>)
        %dma_start3A_50 = arith.constant 0 : i32
        %dma_start3A_51 = tpu.memref_slice %arg6[%add3A_23, %dma_start3A_50] : memref<4x50176xf32, #tpu.memory_space<hbm>> -> memref<1x1792xf32, #tpu.memory_space<hbm>>
        %dma_start3A_52 = tpu.memref_squeeze %dma_start3A_51 : memref<1x1792xf32, #tpu.memory_space<hbm>> -> memref<1792xf32, #tpu.memory_space<hbm>>
        %dma_start3A_53 = arith.constant 0 : i32
        %dma_start3A_54 = tpu.memref_slice %arg6[%add3A_23, %dma_start3A_53] : memref<4x50176xf32, #tpu.memory_space<hbm>> -> memref<1x1792xf32, #tpu.memory_space<hbm>>
        %dma_start3A_55 = tpu.memref_squeeze %dma_start3A_54 : memref<1x1792xf32, #tpu.memory_space<hbm>> -> memref<1792xf32, #tpu.memory_space<hbm>>
        tpu.enqueue_dma source(%dma_start3A_55 : memref<1792xf32, #tpu.memory_space<hbm>>) target(%arg16 : memref<1792xf32, #tpu.memory_space<vmem>>) target_semaphore(%arg25 : memref<!tpu.dma_semaphore, #tpu.memory_space<semaphore_mem>>)
        %dma_start3A_56 = arith.constant 0 : i32
        %dma_start3A_57 = tpu.memref_slice %arg7[%add3A_23, %dma_start3A_56] : memref<4x50176xf32, #tpu.memory_space<hbm>> -> memref<1x1792xf32, #tpu.memory_space<hbm>>
        %dma_start3A_58 = tpu.memref_squeeze %dma_start3A_57 : memref<1x1792xf32, #tpu.memory_space<hbm>> -> memref<1792xf32, #tpu.memory_space<hbm>>
        %dma_start3A_59 = arith.constant 0 : i32
        %dma_start3A_60 = tpu.memref_slice %arg7[%add3A_23, %dma_start3A_59] : memref<4x50176xf32, #tpu.memory_space<hbm>> -> memref<1x1792xf32, #tpu.memory_space<hbm>>
        %dma_start3A_61 = tpu.memref_squeeze %dma_start3A_60 : memref<1x1792xf32, #tpu.memory_space<hbm>> -> memref<1792xf32, #tpu.memory_space<hbm>>
        tpu.enqueue_dma source(%dma_start3A_61 : memref<1792xf32, #tpu.memory_space<hbm>>) target(%arg17 : memref<1792xf32, #tpu.memory_space<vmem>>) target_semaphore(%arg25 : memref<!tpu.dma_semaphore, #tpu.memory_space<semaphore_mem>>)
        %not3A_62 = arith.constant true
        %not3A_63 = arith.xori %eq3A_28, %not3A_62 : i1
        %convert_element_type3A_64 = arith.extui %not3A_63 : i1 to i32
        %cond3A_65 = arith.constant 0 : i32
        %cond3A_66 = arith.cmpi ne, %convert_element_type3A_64, %cond3A_65 : i32
        scf.if %cond3A_66 {
          %mul3A_140 = arith.constant 96 : i32
          %mul3A_141 = arith.muli %add3A_23, %mul3A_140 : i32
          %add3A_142 = arith.addi %mul3A_141, %mul3A_27 : i32
          %dma_start3A_143 = arith.constant 1792 : i32
          %dma_start3A_144 = tpu.memref_slice %arg2[%add3A_142, %dma_start3A_143] : memref<384x50176xf32, #tpu.memory_space<hbm>> -> memref<1x1792xf32, #tpu.memory_space<hbm>>
          %dma_start3A_145 = tpu.memref_squeeze %dma_start3A_144 : memref<1x1792xf32, #tpu.memory_space<hbm>> -> memref<1792xf32, #tpu.memory_space<hbm>>
          %dma_start3A_146 = arith.constant 1792 : i32
          %dma_start3A_147 = tpu.memref_slice %arg2[%add3A_142, %dma_start3A_146] : memref<384x50176xf32, #tpu.memory_space<hbm>> -> memref<1x1792xf32, #tpu.memory_space<hbm>>
          %dma_start3A_148 = tpu.memref_squeeze %dma_start3A_147 : memref<1x1792xf32, #tpu.memory_space<hbm>> -> memref<1792xf32, #tpu.memory_space<hbm>>
          tpu.enqueue_dma source(%dma_start3A_148 : memref<1792xf32, #tpu.memory_space<hbm>>) target(%arg18 : memref<1792xf32, #tpu.memory_space<vmem>>) target_semaphore(%arg26 : memref<!tpu.dma_semaphore, #tpu.memory_space<semaphore_mem>>)
          %mul3A_149 = arith.constant 96 : i32
          %mul3A_150 = arith.muli %add3A_23, %mul3A_149 : i32
          %add3A_151 = arith.addi %mul3A_150, %mul3A_27 : i32
          %add3A_152 = arith.constant 1 : i32
          %add3A_153 = arith.addi %add3A_151, %add3A_152 : i32
          %dma_start3A_154 = arith.constant 1792 : i32
          %dma_start3A_155 = tpu.memref_slice %arg2[%add3A_153, %dma_start3A_154] : memref<384x50176xf32, #tpu.memory_space<hbm>> -> memref<1x1792xf32, #tpu.memory_space<hbm>>
          %dma_start3A_156 = tpu.memref_squeeze %dma_start3A_155 : memref<1x1792xf32, #tpu.memory_space<hbm>> -> memref<1792xf32, #tpu.memory_space<hbm>>
          %dma_start3A_157 = arith.constant 1792 : i32
          %dma_start3A_158 = tpu.memref_slice %arg2[%add3A_153, %dma_start3A_157] : memref<384x50176xf32, #tpu.memory_space<hbm>> -> memref<1x1792xf32, #tpu.memory_space<hbm>>
          %dma_start3A_159 = tpu.memref_squeeze %dma_start3A_158 : memref<1x1792xf32, #tpu.memory_space<hbm>> -> memref<1792xf32, #tpu.memory_space<hbm>>
          tpu.enqueue_dma source(%dma_start3A_159 : memref<1792xf32, #tpu.memory_space<hbm>>) target(%arg19 : memref<1792xf32, #tpu.memory_space<vmem>>) target_semaphore(%arg26 : memref<!tpu.dma_semaphore, #tpu.memory_space<semaphore_mem>>)
        } else {
        }
        %dma_start3A_67 = arith.constant 1792 : i32
        %dma_start3A_68 = tpu.memref_slice %arg3[%add3A_23, %dma_start3A_67] : memref<4x50176xi32, #tpu.memory_space<hbm>> -> memref<1x1792xi32, #tpu.memory_space<hbm>>
        %dma_start3A_69 = tpu.memref_squeeze %dma_start3A_68 : memref<1x1792xi32, #tpu.memory_space<hbm>> -> memref<1792xi32, #tpu.memory_space<hbm>>
        %dma_start3A_70 = arith.constant 1792 : i32
        %dma_start3A_71 = tpu.memref_slice %arg3[%add3A_23, %dma_start3A_70] : memref<4x50176xi32, #tpu.memory_space<hbm>> -> memref<1x1792xi32, #tpu.memory_space<hbm>>
        %dma_start3A_72 = tpu.memref_squeeze %dma_start3A_71 : memref<1x1792xi32, #tpu.memory_space<hbm>> -> memref<1792xi32, #tpu.memory_space<hbm>>
        tpu.enqueue_dma source(%dma_start3A_72 : memref<1792xi32, #tpu.memory_space<hbm>>) target(%arg20 : memref<1792xi32, #tpu.memory_space<vmem>>) target_semaphore(%arg26 : memref<!tpu.dma_semaphore, #tpu.memory_space<semaphore_mem>>)
        %dma_start3A_73 = arith.constant 1792 : i32
        %dma_start3A_74 = tpu.memref_slice %arg4[%add3A_23, %dma_start3A_73] : memref<4x50176xf32, #tpu.memory_space<hbm>> -> memref<1x1792xf32, #tpu.memory_space<hbm>>
        %dma_start3A_75 = tpu.memref_squeeze %dma_start3A_74 : memref<1x1792xf32, #tpu.memory_space<hbm>> -> memref<1792xf32, #tpu.memory_space<hbm>>
        %dma_start3A_76 = arith.constant 1792 : i32
        %dma_start3A_77 = tpu.memref_slice %arg4[%add3A_23, %dma_start3A_76] : memref<4x50176xf32, #tpu.memory_space<hbm>> -> memref<1x1792xf32, #tpu.memory_space<hbm>>
        %dma_start3A_78 = tpu.memref_squeeze %dma_start3A_77 : memref<1x1792xf32, #tpu.memory_space<hbm>> -> memref<1792xf32, #tpu.memory_space<hbm>>
        tpu.enqueue_dma source(%dma_start3A_78 : memref<1792xf32, #tpu.memory_space<hbm>>) target(%arg21 : memref<1792xf32, #tpu.memory_space<vmem>>) target_semaphore(%arg26 : memref<!tpu.dma_semaphore, #tpu.memory_space<semaphore_mem>>)
        %dma_start3A_79 = arith.constant 1792 : i32
        %dma_start3A_80 = tpu.memref_slice %arg5[%add3A_23, %dma_start3A_79] : memref<4x50176xf32, #tpu.memory_space<hbm>> -> memref<1x1792xf32, #tpu.memory_space<hbm>>
        %dma_start3A_81 = tpu.memref_squeeze %dma_start3A_80 : memref<1x1792xf32, #tpu.memory_space<hbm>> -> memref<1792xf32, #tpu.memory_space<hbm>>
        %dma_start3A_82 = arith.constant 1792 : i32
        %dma_start3A_83 = tpu.memref_slice %arg5[%add3A_23, %dma_start3A_82] : memref<4x50176xf32, #tpu.memory_space<hbm>> -> memref<1x1792xf32, #tpu.memory_space<hbm>>
        %dma_start3A_84 = tpu.memref_squeeze %dma_start3A_83 : memref<1x1792xf32, #tpu.memory_space<hbm>> -> memref<1792xf32, #tpu.memory_space<hbm>>
        tpu.enqueue_dma source(%dma_start3A_84 : memref<1792xf32, #tpu.memory_space<hbm>>) target(%arg22 : memref<1792xf32, #tpu.memory_space<vmem>>) target_semaphore(%arg26 : memref<!tpu.dma_semaphore, #tpu.memory_space<semaphore_mem>>)
        %dma_start3A_85 = arith.constant 1792 : i32
        %dma_start3A_86 = tpu.memref_slice %arg6[%add3A_23, %dma_start3A_85] : memref<4x50176xf32, #tpu.memory_space<hbm>> -> memref<1x1792xf32, #tpu.memory_space<hbm>>
        %dma_start3A_87 = tpu.memref_squeeze %dma_start3A_86 : memref<1x1792xf32, #tpu.memory_space<hbm>> -> memref<1792xf32, #tpu.memory_space<hbm>>
        %dma_start3A_88 = arith.constant 1792 : i32
        %dma_start3A_89 = tpu.memref_slice %arg6[%add3A_23, %dma_start3A_88] : memref<4x50176xf32, #tpu.memory_space<hbm>> -> memref<1x1792xf32, #tpu.memory_space<hbm>>
        %dma_start3A_90 = tpu.memref_squeeze %dma_start3A_89 : memref<1x1792xf32, #tpu.memory_space<hbm>> -> memref<1792xf32, #tpu.memory_space<hbm>>
        tpu.enqueue_dma source(%dma_start3A_90 : memref<1792xf32, #tpu.memory_space<hbm>>) target(%arg23 : memref<1792xf32, #tpu.memory_space<vmem>>) target_semaphore(%arg26 : memref<!tpu.dma_semaphore, #tpu.memory_space<semaphore_mem>>)
        %dma_start3A_91 = arith.constant 1792 : i32
        %dma_start3A_92 = tpu.memref_slice %arg7[%add3A_23, %dma_start3A_91] : memref<4x50176xf32, #tpu.memory_space<hbm>> -> memref<1x1792xf32, #tpu.memory_space<hbm>>
        %dma_start3A_93 = tpu.memref_squeeze %dma_start3A_92 : memref<1x1792xf32, #tpu.memory_space<hbm>> -> memref<1792xf32, #tpu.memory_space<hbm>>
        %dma_start3A_94 = arith.constant 1792 : i32
        %dma_start3A_95 = tpu.memref_slice %arg7[%add3A_23, %dma_start3A_94] : memref<4x50176xf32, #tpu.memory_space<hbm>> -> memref<1x1792xf32, #tpu.memory_space<hbm>>
        %dma_start3A_96 = tpu.memref_squeeze %dma_start3A_95 : memref<1x1792xf32, #tpu.memory_space<hbm>> -> memref<1792xf32, #tpu.memory_space<hbm>>
        tpu.enqueue_dma source(%dma_start3A_96 : memref<1792xf32, #tpu.memory_space<hbm>>) target(%arg24 : memref<1792xf32, #tpu.memory_space<vmem>>) target_semaphore(%arg26 : memref<!tpu.dma_semaphore, #tpu.memory_space<semaphore_mem>>)
        %convert_element_type3A_97 = arith.extui %eq3A_28 : i1 to i32
        %cond3A_98 = arith.constant 0 : i32
        %cond3A_99 = arith.cmpi ne, %convert_element_type3A_97, %cond3A_98 : i32
        scf.if %cond3A_99 {
          %parallel_loop3A_140 = arith.constant 0 : i32
          %parallel_loop3A_141 = arith.constant 112 : i32
          %parallel_loop3A_142 = arith.constant 1 : i32
          scf.for %parallel_loop3A_152 = %parallel_loop3A_140 to %parallel_loop3A_141 step %parallel_loop3A_142  : i32 {
            %parallel_loop3A_153 = arith.constant 1.000000e+00 : f32
            %parallel_loop3A_154 = vector.broadcast %parallel_loop3A_153 : f32 to vector<16xf32>
            %parallel_loop3A_155 = arith.constant 16 : i32
            %parallel_loop3A_156 = arith.muli %parallel_loop3A_152, %parallel_loop3A_155 : i32
            %parallel_loop3A_157 = arith.index_cast %parallel_loop3A_156 : i32 to index
            %parallel_loop3A_158 = tpu.vector_load %arg11[%parallel_loop3A_157] {strides = array<i32>} : memref<1792xf32, #tpu.memory_space<vmem>>, vector<16xf32>,
            tpu.vector_store %arg11[%parallel_loop3A_157], %parallel_loop3A_154 {strides = array<i32>} : memref<1792xf32, #tpu.memory_space<vmem>>, vector<16xf32>,
          } {sc.loop_unroll_factor = 8 : i64, sc.parallel_access}
          %parallel_loop3A_143 = arith.constant 0 : i32
          %parallel_loop3A_144 = arith.constant 112 : i32
          %parallel_loop3A_145 = arith.constant 1 : i32
          scf.for %parallel_loop3A_152 = %parallel_loop3A_143 to %parallel_loop3A_144 step %parallel_loop3A_145  : i32 {
            %parallel_loop3A_153 = arith.constant 1.000000e+00 : f32
            %parallel_loop3A_154 = vector.broadcast %parallel_loop3A_153 : f32 to vector<16xf32>
            %parallel_loop3A_155 = arith.constant 16 : i32
            %parallel_loop3A_156 = arith.muli %parallel_loop3A_152, %parallel_loop3A_155 : i32
            %parallel_loop3A_157 = arith.index_cast %parallel_loop3A_156 : i32 to index
            %parallel_loop3A_158 = tpu.vector_load %arg12[%parallel_loop3A_157] {strides = array<i32>} : memref<1792xf32, #tpu.memory_space<vmem>>, vector<16xf32>,
            tpu.vector_store %arg12[%parallel_loop3A_157], %parallel_loop3A_154 {strides = array<i32>} : memref<1792xf32, #tpu.memory_space<vmem>>, vector<16xf32>,
          } {sc.loop_unroll_factor = 8 : i64, sc.parallel_access}
          %parallel_loop3A_146 = arith.constant 0 : i32
          %parallel_loop3A_147 = arith.constant 112 : i32
          %parallel_loop3A_148 = arith.constant 1 : i32
          scf.for %parallel_loop3A_152 = %parallel_loop3A_146 to %parallel_loop3A_147 step %parallel_loop3A_148  : i32 {
            %parallel_loop3A_153 = arith.constant 1.000000e+00 : f32
            %parallel_loop3A_154 = vector.broadcast %parallel_loop3A_153 : f32 to vector<16xf32>
            %parallel_loop3A_155 = arith.constant 16 : i32
            %parallel_loop3A_156 = arith.muli %parallel_loop3A_152, %parallel_loop3A_155 : i32
            %parallel_loop3A_157 = arith.index_cast %parallel_loop3A_156 : i32 to index
            %parallel_loop3A_158 = tpu.vector_load %arg18[%parallel_loop3A_157] {strides = array<i32>} : memref<1792xf32, #tpu.memory_space<vmem>>, vector<16xf32>,
            tpu.vector_store %arg18[%parallel_loop3A_157], %parallel_loop3A_154 {strides = array<i32>} : memref<1792xf32, #tpu.memory_space<vmem>>, vector<16xf32>,
          } {sc.loop_unroll_factor = 8 : i64, sc.parallel_access}
          %parallel_loop3A_149 = arith.constant 0 : i32
          %parallel_loop3A_150 = arith.constant 112 : i32
          %parallel_loop3A_151 = arith.constant 1 : i32
          scf.for %parallel_loop3A_152 = %parallel_loop3A_149 to %parallel_loop3A_150 step %parallel_loop3A_151  : i32 {
            %parallel_loop3A_153 = arith.constant 1.000000e+00 : f32
            %parallel_loop3A_154 = vector.broadcast %parallel_loop3A_153 : f32 to vector<16xf32>
            %parallel_loop3A_155 = arith.constant 16 : i32
            %parallel_loop3A_156 = arith.muli %parallel_loop3A_152, %parallel_loop3A_155 : i32
            %parallel_loop3A_157 = arith.index_cast %parallel_loop3A_156 : i32 to index
            %parallel_loop3A_158 = tpu.vector_load %arg19[%parallel_loop3A_157] {strides = array<i32>} : memref<1792xf32, #tpu.memory_space<vmem>>, vector<16xf32>,
            tpu.vector_store %arg19[%parallel_loop3A_157], %parallel_loop3A_154 {strides = array<i32>} : memref<1792xf32, #tpu.memory_space<vmem>>, vector<16xf32>,
          } {sc.loop_unroll_factor = 8 : i64, sc.parallel_access}
        } else {
        }
        %parallel_loop3A = arith.constant 0 : i32
        %parallel_loop3A_100 = arith.constant 3166 : i32
        %parallel_loop3A_101 = arith.constant 1 : i32
        scf.for %parallel_loop3A_140 = %parallel_loop3A to %parallel_loop3A_100 step %parallel_loop3A_101  : i32 {
          %parallel_loop3A_141 = arith.constant 0.000000e+00 : f32
          %parallel_loop3A_142 = vector.broadcast %parallel_loop3A_141 : f32 to vector<16xf32>
          %parallel_loop3A_143 = arith.constant 16 : i32
          %parallel_loop3A_144 = arith.muli %parallel_loop3A_140, %parallel_loop3A_143 : i32
          %parallel_loop3A_145 = arith.index_cast %parallel_loop3A_144 : i32 to index
          %parallel_loop3A_146 = tpu.vector_load %arg9[%parallel_loop3A_145] {strides = array<i32>} : memref<50656xf32, #tpu.memory_space<vmem>>, vector<16xf32>,
          tpu.vector_store %arg9[%parallel_loop3A_145], %parallel_loop3A_142 {strides = array<i32>} : memref<50656xf32, #tpu.memory_space<vmem>>, vector<16xf32>,
          %parallel_loop3A_147 = arith.constant 0.000000e+00 : f32
          %parallel_loop3A_148 = vector.broadcast %parallel_loop3A_147 : f32 to vector<16xf32>
          %parallel_loop3A_149 = arith.constant 16 : i32
          %parallel_loop3A_150 = arith.muli %parallel_loop3A_140, %parallel_loop3A_149 : i32
          %parallel_loop3A_151 = arith.index_cast %parallel_loop3A_150 : i32 to index
          %parallel_loop3A_152 = tpu.vector_load %arg10[%parallel_loop3A_151] {strides = array<i32>} : memref<50656xf32, #tpu.memory_space<vmem>>, vector<16xf32>,
          tpu.vector_store %arg10[%parallel_loop3A_151], %parallel_loop3A_148 {strides = array<i32>} : memref<50656xf32, #tpu.memory_space<vmem>>, vector<16xf32>,
        } {sc.loop_unroll_factor = 8 : i64, sc.parallel_access}
        %scan3A_102 = arith.constant 0 : i32
        %scan3A_103 = arith.constant 0 : i32
        %scan3A_104 = arith.constant 14 : i32
        %scan3A_105 = arith.addi %scan3A_103, %scan3A_104 : i32
        %scan3A_106 = arith.constant 1 : i32
        scf.for %scan3A_140 = %scan3A_103 to %scan3A_105 step %scan3A_106  : i32 {
          %mul3A_141 = arith.constant 2 : i32
          %mul3A_142 = arith.muli %scan3A_140, %mul3A_141 : i32
          %add3A_143 = arith.constant 0 : i32
          %add3A_144 = arith.addi %mul3A_142, %add3A_143 : i32
          %mul3A_145 = arith.constant 1792 : i32
          %mul3A_146 = arith.muli %add3A_144, %mul3A_145 : i32
          %not3A_147 = arith.constant true
          %not3A_148 = arith.xori %eq3A_28, %not3A_147 : i1
          %convert_element_type3A_149 = arith.extui %not3A_148 : i1 to i32
          %cond3A_150 = arith.constant 0 : i32
          %cond3A_151 = arith.cmpi ne, %convert_element_type3A_149, %cond3A_150 : i32
          scf.if %cond3A_151 {
            %mul3A_223 = arith.constant 96 : i32
            %mul3A_224 = arith.muli %add3A_23, %mul3A_223 : i32
            %add3A_225 = arith.addi %mul3A_224, %mul3A_27 : i32
            %dma_wait3A_226 = tpu.memref_slice %arg2[%add3A_225, %mul3A_146] : memref<384x50176xf32, #tpu.memory_space<hbm>> -> memref<1x1792xf32, #tpu.memory_space<hbm>>
            %dma_wait3A_227 = tpu.memref_squeeze %dma_wait3A_226 : memref<1x1792xf32, #tpu.memory_space<hbm>> -> memref<1792xf32, #tpu.memory_space<hbm>>
            %dma_wait3A_228 = tpu.memref_slice %arg2[%add3A_225, %mul3A_146] : memref<384x50176xf32, #tpu.memory_space<hbm>> -> memref<1x1792xf32, #tpu.memory_space<hbm>>
            %dma_wait3A_229 = tpu.memref_squeeze %dma_wait3A_228 : memref<1x1792xf32, #tpu.memory_space<hbm>> -> memref<1792xf32, #tpu.memory_space<hbm>>
            tpu.wait_dma2 semaphore(%arg25 : memref<!tpu.dma_semaphore, #tpu.memory_space<semaphore_mem>>) src(%dma_wait3A_229 : memref<1792xf32, #tpu.memory_space<hbm>>) dst(%arg11 : memref<1792xf32, #tpu.memory_space<vmem>>)
            %mul3A_230 = arith.constant 96 : i32
            %mul3A_231 = arith.muli %add3A_23, %mul3A_230 : i32
            %add3A_232 = arith.addi %mul3A_231, %mul3A_27 : i32
            %add3A_233 = arith.constant 1 : i32
            %add3A_234 = arith.addi %add3A_232, %add3A_233 : i32
            %dma_wait3A_235 = tpu.memref_slice %arg2[%add3A_234, %mul3A_146] : memref<384x50176xf32, #tpu.memory_space<hbm>> -> memref<1x1792xf32, #tpu.memory_space<hbm>>
            %dma_wait3A_236 = tpu.memref_squeeze %dma_wait3A_235 : memref<1x1792xf32, #tpu.memory_space<hbm>> -> memref<1792xf32, #tpu.memory_space<hbm>>
            %dma_wait3A_237 = tpu.memref_slice %arg2[%add3A_234, %mul3A_146] : memref<384x50176xf32, #tpu.memory_space<hbm>> -> memref<1x1792xf32, #tpu.memory_space<hbm>>
            %dma_wait3A_238 = tpu.memref_squeeze %dma_wait3A_237 : memref<1x1792xf32, #tpu.memory_space<hbm>> -> memref<1792xf32, #tpu.memory_space<hbm>>
            tpu.wait_dma2 semaphore(%arg25 : memref<!tpu.dma_semaphore, #tpu.memory_space<semaphore_mem>>) src(%dma_wait3A_238 : memref<1792xf32, #tpu.memory_space<hbm>>) dst(%arg12 : memref<1792xf32, #tpu.memory_space<vmem>>)
          } else {
          }
          %dma_wait3A_152 = tpu.memref_slice %arg3[%add3A_23, %mul3A_146] : memref<4x50176xi32, #tpu.memory_space<hbm>> -> memref<1x1792xi32, #tpu.memory_space<hbm>>
          %dma_wait3A_153 = tpu.memref_squeeze %dma_wait3A_152 : memref<1x1792xi32, #tpu.memory_space<hbm>> -> memref<1792xi32, #tpu.memory_space<hbm>>
          %dma_wait3A_154 = tpu.memref_slice %arg3[%add3A_23, %mul3A_146] : memref<4x50176xi32, #tpu.memory_space<hbm>> -> memref<1x1792xi32, #tpu.memory_space<hbm>>
          %dma_wait3A_155 = tpu.memref_squeeze %dma_wait3A_154 : memref<1x1792xi32, #tpu.memory_space<hbm>> -> memref<1792xi32, #tpu.memory_space<hbm>>
          tpu.wait_dma2 semaphore(%arg25 : memref<!tpu.dma_semaphore, #tpu.memory_space<semaphore_mem>>) src(%dma_wait3A_155 : memref<1792xi32, #tpu.memory_space<hbm>>) dst(%arg13 : memref<1792xi32, #tpu.memory_space<vmem>>)
          %dma_wait3A_156 = tpu.memref_slice %arg4[%add3A_23, %mul3A_146] : memref<4x50176xf32, #tpu.memory_space<hbm>> -> memref<1x1792xf32, #tpu.memory_space<hbm>>
          %dma_wait3A_157 = tpu.memref_squeeze %dma_wait3A_156 : memref<1x1792xf32, #tpu.memory_space<hbm>> -> memref<1792xf32, #tpu.memory_space<hbm>>
          %dma_wait3A_158 = tpu.memref_slice %arg4[%add3A_23, %mul3A_146] : memref<4x50176xf32, #tpu.memory_space<hbm>> -> memref<1x1792xf32, #tpu.memory_space<hbm>>
          %dma_wait3A_159 = tpu.memref_squeeze %dma_wait3A_158 : memref<1x1792xf32, #tpu.memory_space<hbm>> -> memref<1792xf32, #tpu.memory_space<hbm>>
          tpu.wait_dma2 semaphore(%arg25 : memref<!tpu.dma_semaphore, #tpu.memory_space<semaphore_mem>>) src(%dma_wait3A_159 : memref<1792xf32, #tpu.memory_space<hbm>>) dst(%arg14 : memref<1792xf32, #tpu.memory_space<vmem>>)
          %dma_wait3A_160 = tpu.memref_slice %arg5[%add3A_23, %mul3A_146] : memref<4x50176xf32, #tpu.memory_space<hbm>> -> memref<1x1792xf32, #tpu.memory_space<hbm>>
          %dma_wait3A_161 = tpu.memref_squeeze %dma_wait3A_160 : memref<1x1792xf32, #tpu.memory_space<hbm>> -> memref<1792xf32, #tpu.memory_space<hbm>>
          %dma_wait3A_162 = tpu.memref_slice %arg5[%add3A_23, %mul3A_146] : memref<4x50176xf32, #tpu.memory_space<hbm>> -> memref<1x1792xf32, #tpu.memory_space<hbm>>
          %dma_wait3A_163 = tpu.memref_squeeze %dma_wait3A_162 : memref<1x1792xf32, #tpu.memory_space<hbm>> -> memref<1792xf32, #tpu.memory_space<hbm>>
          tpu.wait_dma2 semaphore(%arg25 : memref<!tpu.dma_semaphore, #tpu.memory_space<semaphore_mem>>) src(%dma_wait3A_163 : memref<1792xf32, #tpu.memory_space<hbm>>) dst(%arg15 : memref<1792xf32, #tpu.memory_space<vmem>>)
          %dma_wait3A_164 = tpu.memref_slice %arg6[%add3A_23, %mul3A_146] : memref<4x50176xf32, #tpu.memory_space<hbm>> -> memref<1x1792xf32, #tpu.memory_space<hbm>>
          %dma_wait3A_165 = tpu.memref_squeeze %dma_wait3A_164 : memref<1x1792xf32, #tpu.memory_space<hbm>> -> memref<1792xf32, #tpu.memory_space<hbm>>
          %dma_wait3A_166 = tpu.memref_slice %arg6[%add3A_23, %mul3A_146] : memref<4x50176xf32, #tpu.memory_space<hbm>> -> memref<1x1792xf32, #tpu.memory_space<hbm>>
          %dma_wait3A_167 = tpu.memref_squeeze %dma_wait3A_166 : memref<1x1792xf32, #tpu.memory_space<hbm>> -> memref<1792xf32, #tpu.memory_space<hbm>>
          tpu.wait_dma2 semaphore(%arg25 : memref<!tpu.dma_semaphore, #tpu.memory_space<semaphore_mem>>) src(%dma_wait3A_167 : memref<1792xf32, #tpu.memory_space<hbm>>) dst(%arg16 : memref<1792xf32, #tpu.memory_space<vmem>>)
          %dma_wait3A_168 = tpu.memref_slice %arg7[%add3A_23, %mul3A_146] : memref<4x50176xf32, #tpu.memory_space<hbm>> -> memref<1x1792xf32, #tpu.memory_space<hbm>>
          %dma_wait3A_169 = tpu.memref_squeeze %dma_wait3A_168 : memref<1x1792xf32, #tpu.memory_space<hbm>> -> memref<1792xf32, #tpu.memory_space<hbm>>
          %dma_wait3A_170 = tpu.memref_slice %arg7[%add3A_23, %mul3A_146] : memref<4x50176xf32, #tpu.memory_space<hbm>> -> memref<1x1792xf32, #tpu.memory_space<hbm>>
          %dma_wait3A_171 = tpu.memref_squeeze %dma_wait3A_170 : memref<1x1792xf32, #tpu.memory_space<hbm>> -> memref<1792xf32, #tpu.memory_space<hbm>>
          tpu.wait_dma2 semaphore(%arg25 : memref<!tpu.dma_semaphore, #tpu.memory_space<semaphore_mem>>) src(%dma_wait3A_171 : memref<1792xf32, #tpu.memory_space<hbm>>) dst(%arg17 : memref<1792xf32, #tpu.memory_space<vmem>>)
          %parallel_loop3A_172 = arith.constant 0 : i32
          %parallel_loop3A_173 = arith.constant 112 : i32
          %parallel_loop3A_174 = arith.constant 1 : i32
          scf.for %parallel_loop3A_223 = %parallel_loop3A_172 to %parallel_loop3A_173 step %parallel_loop3A_174  : i32 {
            %parallel_loop3A_224 = arith.constant 16 : i32
            %parallel_loop3A_225 = arith.muli %parallel_loop3A_223, %parallel_loop3A_224 : i32
            %parallel_loop3A_226 = arith.index_cast %parallel_loop3A_225 : i32 to index
            %parallel_loop3A_227 = tpu.vector_load %arg11[%parallel_loop3A_226] {strides = array<i32>} : memref<1792xf32, #tpu.memory_space<vmem>>, vector<16xf32>,
            %parallel_loop3A_228 = arith.index_cast %parallel_loop3A_225 : i32 to index
            %parallel_loop3A_229 = tpu.vector_load %arg12[%parallel_loop3A_228] {strides = array<i32>} : memref<1792xf32, #tpu.memory_space<vmem>>, vector<16xf32>,
            %parallel_loop3A_230 = arith.index_cast %parallel_loop3A_225 : i32 to index
            %parallel_loop3A_231 = tpu.vector_load %arg13[%parallel_loop3A_230] {strides = array<i32>} : memref<1792xi32, #tpu.memory_space<vmem>>, vector<16xi32>,
            %parallel_loop3A_232 = arith.constant 1 : i32
            %parallel_loop3A_233 = vector.broadcast %parallel_loop3A_232 : i32 to vector<16xi32>
            %parallel_loop3A_234 = arith.addi %parallel_loop3A_231, %parallel_loop3A_233 : vector<16xi32>
            %parallel_loop3A_235 = arith.constant 224 : i32
            %parallel_loop3A_236 = vector.broadcast %parallel_loop3A_235 : i32 to vector<16xi32>
            %parallel_loop3A_237 = arith.addi %parallel_loop3A_231, %parallel_loop3A_236 : vector<16xi32>
            %parallel_loop3A_238 = arith.constant 225 : i32
            %parallel_loop3A_239 = vector.broadcast %parallel_loop3A_238 : i32 to vector<16xi32>
            %parallel_loop3A_240 = arith.addi %parallel_loop3A_231, %parallel_loop3A_239 : vector<16xi32>
            %parallel_loop3A_241 = arith.index_cast %parallel_loop3A_225 : i32 to index
            %parallel_loop3A_242 = tpu.vector_load %arg14[%parallel_loop3A_241] {strides = array<i32>} : memref<1792xf32, #tpu.memory_space<vmem>>, vector<16xf32>,
            %parallel_loop3A_243 = arith.index_cast %parallel_loop3A_225 : i32 to index
            %parallel_loop3A_244 = tpu.vector_load %arg15[%parallel_loop3A_243] {strides = array<i32>} : memref<1792xf32, #tpu.memory_space<vmem>>, vector<16xf32>,
            %parallel_loop3A_245 = arith.index_cast %parallel_loop3A_225 : i32 to index
            %parallel_loop3A_246 = tpu.vector_load %arg16[%parallel_loop3A_245] {strides = array<i32>} : memref<1792xf32, #tpu.memory_space<vmem>>, vector<16xf32>,
            %parallel_loop3A_247 = arith.index_cast %parallel_loop3A_225 : i32 to index
            %parallel_loop3A_248 = tpu.vector_load %arg17[%parallel_loop3A_247] {strides = array<i32>} : memref<1792xf32, #tpu.memory_space<vmem>>, vector<16xf32>,
            %parallel_loop3A_249 = arith.mulf %parallel_loop3A_227, %parallel_loop3A_242 : vector<16xf32>
            tpu.vector_store_idx %arg9[%parallel_loop3A_231], %parallel_loop3A_249 {add = true} : memref<50656xf32, #tpu.memory_space<vmem>>[vector<16xi32>], vector<16xf32>,
            %parallel_loop3A_250 = arith.mulf %parallel_loop3A_229, %parallel_loop3A_242 : vector<16xf32>
            tpu.vector_store_idx %arg10[%parallel_loop3A_231], %parallel_loop3A_250 {add = true} : memref<50656xf32, #tpu.memory_space<vmem>>[vector<16xi32>], vector<16xf32>,
            %parallel_loop3A_251 = arith.mulf %parallel_loop3A_227, %parallel_loop3A_244 : vector<16xf32>
            tpu.vector_store_idx %arg9[%parallel_loop3A_234], %parallel_loop3A_251 {add = true} : memref<50656xf32, #tpu.memory_space<vmem>>[vector<16xi32>], vector<16xf32>,
            %parallel_loop3A_252 = arith.mulf %parallel_loop3A_229, %parallel_loop3A_244 : vector<16xf32>
            tpu.vector_store_idx %arg10[%parallel_loop3A_234], %parallel_loop3A_252 {add = true} : memref<50656xf32, #tpu.memory_space<vmem>>[vector<16xi32>], vector<16xf32>,
            %parallel_loop3A_253 = arith.mulf %parallel_loop3A_227, %parallel_loop3A_246 : vector<16xf32>
            tpu.vector_store_idx %arg9[%parallel_loop3A_237], %parallel_loop3A_253 {add = true} : memref<50656xf32, #tpu.memory_space<vmem>>[vector<16xi32>], vector<16xf32>,
            %parallel_loop3A_254 = arith.mulf %parallel_loop3A_229, %parallel_loop3A_246 : vector<16xf32>
            tpu.vector_store_idx %arg10[%parallel_loop3A_237], %parallel_loop3A_254 {add = true} : memref<50656xf32, #tpu.memory_space<vmem>>[vector<16xi32>], vector<16xf32>,
            %parallel_loop3A_255 = arith.mulf %parallel_loop3A_227, %parallel_loop3A_248 : vector<16xf32>
            tpu.vector_store_idx %arg9[%parallel_loop3A_240], %parallel_loop3A_255 {add = true} : memref<50656xf32, #tpu.memory_space<vmem>>[vector<16xi32>], vector<16xf32>,
            %parallel_loop3A_256 = arith.mulf %parallel_loop3A_229, %parallel_loop3A_248 : vector<16xf32>
            tpu.vector_store_idx %arg10[%parallel_loop3A_240], %parallel_loop3A_256 {add = true} : memref<50656xf32, #tpu.memory_space<vmem>>[vector<16xi32>], vector<16xf32>,
          } {sc.loop_unroll_factor = 8 : i64, sc.parallel_access}
          %add3A_175 = arith.constant 2 : i32
          %add3A_176 = arith.addi %add3A_144, %add3A_175 : i32
          %lt3A_177 = arith.constant 28 : i32
          %lt3A_178 = arith.cmpi slt, %add3A_176, %lt3A_177 : i32
          %convert_element_type3A_179 = arith.extui %lt3A_178 : i1 to i32
          %cond3A_180 = arith.constant 0 : i32
          %cond3A_181 = arith.cmpi ne, %convert_element_type3A_179, %cond3A_180 : i32
          scf.if %cond3A_181 {
            %add3A_223 = arith.constant 2 : i32
            %add3A_224 = arith.addi %add3A_144, %add3A_223 : i32
            %mul3A_225 = arith.constant 1792 : i32
            %mul3A_226 = arith.muli %add3A_224, %mul3A_225 : i32
            %not3A_227 = arith.constant true
            %not3A_228 = arith.xori %eq3A_28, %not3A_227 : i1
            %convert_element_type3A_229 = arith.extui %not3A_228 : i1 to i32
            %cond3A_230 = arith.constant 0 : i32
            %cond3A_231 = arith.cmpi ne, %convert_element_type3A_229, %cond3A_230 : i32
            scf.if %cond3A_231 {
              %mul3A_252 = arith.constant 96 : i32
              %mul3A_253 = arith.muli %add3A_23, %mul3A_252 : i32
              %add3A_254 = arith.addi %mul3A_253, %mul3A_27 : i32
              %dma_start3A_255 = tpu.memref_slice %arg2[%add3A_254, %mul3A_226] : memref<384x50176xf32, #tpu.memory_space<hbm>> -> memref<1x1792xf32, #tpu.memory_space<hbm>>
              %dma_start3A_256 = tpu.memref_squeeze %dma_start3A_255 : memref<1x1792xf32, #tpu.memory_space<hbm>> -> memref<1792xf32, #tpu.memory_space<hbm>>
              %dma_start3A_257 = tpu.memref_slice %arg2[%add3A_254, %mul3A_226] : memref<384x50176xf32, #tpu.memory_space<hbm>> -> memref<1x1792xf32, #tpu.memory_space<hbm>>
              %dma_start3A_258 = tpu.memref_squeeze %dma_start3A_257 : memref<1x1792xf32, #tpu.memory_space<hbm>> -> memref<1792xf32, #tpu.memory_space<hbm>>
              tpu.enqueue_dma source(%dma_start3A_258 : memref<1792xf32, #tpu.memory_space<hbm>>) target(%arg11 : memref<1792xf32, #tpu.memory_space<vmem>>) target_semaphore(%arg25 : memref<!tpu.dma_semaphore, #tpu.memory_space<semaphore_mem>>)
              %mul3A_259 = arith.constant 96 : i32
              %mul3A_260 = arith.muli %add3A_23, %mul3A_259 : i32
              %add3A_261 = arith.addi %mul3A_260, %mul3A_27 : i32
              %add3A_262 = arith.constant 1 : i32
              %add3A_263 = arith.addi %add3A_261, %add3A_262 : i32
              %dma_start3A_264 = tpu.memref_slice %arg2[%add3A_263, %mul3A_226] : memref<384x50176xf32, #tpu.memory_space<hbm>> -> memref<1x1792xf32, #tpu.memory_space<hbm>>
              %dma_start3A_265 = tpu.memref_squeeze %dma_start3A_264 : memref<1x1792xf32, #tpu.memory_space<hbm>> -> memref<1792xf32, #tpu.memory_space<hbm>>
              %dma_start3A_266 = tpu.memref_slice %arg2[%add3A_263, %mul3A_226] : memref<384x50176xf32, #tpu.memory_space<hbm>> -> memref<1x1792xf32, #tpu.memory_space<hbm>>
              %dma_start3A_267 = tpu.memref_squeeze %dma_start3A_266 : memref<1x1792xf32, #tpu.memory_space<hbm>> -> memref<1792xf32, #tpu.memory_space<hbm>>
              tpu.enqueue_dma source(%dma_start3A_267 : memref<1792xf32, #tpu.memory_space<hbm>>) target(%arg12 : memref<1792xf32, #tpu.memory_space<vmem>>) target_semaphore(%arg25 : memref<!tpu.dma_semaphore, #tpu.memory_space<semaphore_mem>>)
            } else {
            }
            %dma_start3A_232 = tpu.memref_slice %arg3[%add3A_23, %mul3A_226] : memref<4x50176xi32, #tpu.memory_space<hbm>> -> memref<1x1792xi32, #tpu.memory_space<hbm>>
            %dma_start3A_233 = tpu.memref_squeeze %dma_start3A_232 : memref<1x1792xi32, #tpu.memory_space<hbm>> -> memref<1792xi32, #tpu.memory_space<hbm>>
            %dma_start3A_234 = tpu.memref_slice %arg3[%add3A_23, %mul3A_226] : memref<4x50176xi32, #tpu.memory_space<hbm>> -> memref<1x1792xi32, #tpu.memory_space<hbm>>
            %dma_start3A_235 = tpu.memref_squeeze %dma_start3A_234 : memref<1x1792xi32, #tpu.memory_space<hbm>> -> memref<1792xi32, #tpu.memory_space<hbm>>
            tpu.enqueue_dma source(%dma_start3A_235 : memref<1792xi32, #tpu.memory_space<hbm>>) target(%arg13 : memref<1792xi32, #tpu.memory_space<vmem>>) target_semaphore(%arg25 : memref<!tpu.dma_semaphore, #tpu.memory_space<semaphore_mem>>)
            %dma_start3A_236 = tpu.memref_slice %arg4[%add3A_23, %mul3A_226] : memref<4x50176xf32, #tpu.memory_space<hbm>> -> memref<1x1792xf32, #tpu.memory_space<hbm>>
            %dma_start3A_237 = tpu.memref_squeeze %dma_start3A_236 : memref<1x1792xf32, #tpu.memory_space<hbm>> -> memref<1792xf32, #tpu.memory_space<hbm>>
            %dma_start3A_238 = tpu.memref_slice %arg4[%add3A_23, %mul3A_226] : memref<4x50176xf32, #tpu.memory_space<hbm>> -> memref<1x1792xf32, #tpu.memory_space<hbm>>
            %dma_start3A_239 = tpu.memref_squeeze %dma_start3A_238 : memref<1x1792xf32, #tpu.memory_space<hbm>> -> memref<1792xf32, #tpu.memory_space<hbm>>
            tpu.enqueue_dma source(%dma_start3A_239 : memref<1792xf32, #tpu.memory_space<hbm>>) target(%arg14 : memref<1792xf32, #tpu.memory_space<vmem>>) target_semaphore(%arg25 : memref<!tpu.dma_semaphore, #tpu.memory_space<semaphore_mem>>)
            %dma_start3A_240 = tpu.memref_slice %arg5[%add3A_23, %mul3A_226] : memref<4x50176xf32, #tpu.memory_space<hbm>> -> memref<1x1792xf32, #tpu.memory_space<hbm>>
            %dma_start3A_241 = tpu.memref_squeeze %dma_start3A_240 : memref<1x1792xf32, #tpu.memory_space<hbm>> -> memref<1792xf32, #tpu.memory_space<hbm>>
            %dma_start3A_242 = tpu.memref_slice %arg5[%add3A_23, %mul3A_226] : memref<4x50176xf32, #tpu.memory_space<hbm>> -> memref<1x1792xf32, #tpu.memory_space<hbm>>
            %dma_start3A_243 = tpu.memref_squeeze %dma_start3A_242 : memref<1x1792xf32, #tpu.memory_space<hbm>> -> memref<1792xf32, #tpu.memory_space<hbm>>
            tpu.enqueue_dma source(%dma_start3A_243 : memref<1792xf32, #tpu.memory_space<hbm>>) target(%arg15 : memref<1792xf32, #tpu.memory_space<vmem>>) target_semaphore(%arg25 : memref<!tpu.dma_semaphore, #tpu.memory_space<semaphore_mem>>)
            %dma_start3A_244 = tpu.memref_slice %arg6[%add3A_23, %mul3A_226] : memref<4x50176xf32, #tpu.memory_space<hbm>> -> memref<1x1792xf32, #tpu.memory_space<hbm>>
            %dma_start3A_245 = tpu.memref_squeeze %dma_start3A_244 : memref<1x1792xf32, #tpu.memory_space<hbm>> -> memref<1792xf32, #tpu.memory_space<hbm>>
            %dma_start3A_246 = tpu.memref_slice %arg6[%add3A_23, %mul3A_226] : memref<4x50176xf32, #tpu.memory_space<hbm>> -> memref<1x1792xf32, #tpu.memory_space<hbm>>
            %dma_start3A_247 = tpu.memref_squeeze %dma_start3A_246 : memref<1x1792xf32, #tpu.memory_space<hbm>> -> memref<1792xf32, #tpu.memory_space<hbm>>
            tpu.enqueue_dma source(%dma_start3A_247 : memref<1792xf32, #tpu.memory_space<hbm>>) target(%arg16 : memref<1792xf32, #tpu.memory_space<vmem>>) target_semaphore(%arg25 : memref<!tpu.dma_semaphore, #tpu.memory_space<semaphore_mem>>)
            %dma_start3A_248 = tpu.memref_slice %arg7[%add3A_23, %mul3A_226] : memref<4x50176xf32, #tpu.memory_space<hbm>> -> memref<1x1792xf32, #tpu.memory_space<hbm>>
            %dma_start3A_249 = tpu.memref_squeeze %dma_start3A_248 : memref<1x1792xf32, #tpu.memory_space<hbm>> -> memref<1792xf32, #tpu.memory_space<hbm>>
            %dma_start3A_250 = tpu.memref_slice %arg7[%add3A_23, %mul3A_226] : memref<4x50176xf32, #tpu.memory_space<hbm>> -> memref<1x1792xf32, #tpu.memory_space<hbm>>
            %dma_start3A_251 = tpu.memref_squeeze %dma_start3A_250 : memref<1x1792xf32, #tpu.memory_space<hbm>> -> memref<1792xf32, #tpu.memory_space<hbm>>
            tpu.enqueue_dma source(%dma_start3A_251 : memref<1792xf32, #tpu.memory_space<hbm>>) target(%arg17 : memref<1792xf32, #tpu.memory_space<vmem>>) target_semaphore(%arg25 : memref<!tpu.dma_semaphore, #tpu.memory_space<semaphore_mem>>)
          } else {
          }
          %mul3A_182 = arith.constant 2 : i32
          %mul3A_183 = arith.muli %scan3A_140, %mul3A_182 : i32
          %add3A_184 = arith.constant 1 : i32
          %add3A_185 = arith.addi %mul3A_183, %add3A_184 : i32
          %mul3A_186 = arith.constant 1792 : i32
          %mul3A_187 = arith.muli %add3A_185, %mul3A_186 : i32
          %not3A_188 = arith.constant true
          %not3A_189 = arith.xori %eq3A_28, %not3A_188 : i1
          %convert_element_type3A_190 = arith.extui %not3A_189 : i1 to i32
          %cond3A_191 = arith.constant 0 : i32
          %cond3A_192 = arith.cmpi ne, %convert_element_type3A_190, %cond3A_191 : i32
          scf.if %cond3A_192 {
            %mul3A_223 = arith.constant 96 : i32
            %mul3A_224 = arith.muli %add3A_23, %mul3A_223 : i32
            %add3A_225 = arith.addi %mul3A_224, %mul3A_27 : i32
            %dma_wait3A_226 = tpu.memref_slice %arg2[%add3A_225, %mul3A_187] : memref<384x50176xf32, #tpu.memory_space<hbm>> -> memref<1x1792xf32, #tpu.memory_space<hbm>>
            %dma_wait3A_227 = tpu.memref_squeeze %dma_wait3A_226 : memref<1x1792xf32, #tpu.memory_space<hbm>> -> memref<1792xf32, #tpu.memory_space<hbm>>
            %dma_wait3A_228 = tpu.memref_slice %arg2[%add3A_225, %mul3A_187] : memref<384x50176xf32, #tpu.memory_space<hbm>> -> memref<1x1792xf32, #tpu.memory_space<hbm>>
            %dma_wait3A_229 = tpu.memref_squeeze %dma_wait3A_228 : memref<1x1792xf32, #tpu.memory_space<hbm>> -> memref<1792xf32, #tpu.memory_space<hbm>>
            tpu.wait_dma2 semaphore(%arg26 : memref<!tpu.dma_semaphore, #tpu.memory_space<semaphore_mem>>) src(%dma_wait3A_229 : memref<1792xf32, #tpu.memory_space<hbm>>) dst(%arg18 : memref<1792xf32, #tpu.memory_space<vmem>>)
            %mul3A_230 = arith.constant 96 : i32
            %mul3A_231 = arith.muli %add3A_23, %mul3A_230 : i32
            %add3A_232 = arith.addi %mul3A_231, %mul3A_27 : i32
            %add3A_233 = arith.constant 1 : i32
            %add3A_234 = arith.addi %add3A_232, %add3A_233 : i32
            %dma_wait3A_235 = tpu.memref_slice %arg2[%add3A_234, %mul3A_187] : memref<384x50176xf32, #tpu.memory_space<hbm>> -> memref<1x1792xf32, #tpu.memory_space<hbm>>
            %dma_wait3A_236 = tpu.memref_squeeze %dma_wait3A_235 : memref<1x1792xf32, #tpu.memory_space<hbm>> -> memref<1792xf32, #tpu.memory_space<hbm>>
            %dma_wait3A_237 = tpu.memref_slice %arg2[%add3A_234, %mul3A_187] : memref<384x50176xf32, #tpu.memory_space<hbm>> -> memref<1x1792xf32, #tpu.memory_space<hbm>>
            %dma_wait3A_238 = tpu.memref_squeeze %dma_wait3A_237 : memref<1x1792xf32, #tpu.memory_space<hbm>> -> memref<1792xf32, #tpu.memory_space<hbm>>
            tpu.wait_dma2 semaphore(%arg26 : memref<!tpu.dma_semaphore, #tpu.memory_space<semaphore_mem>>) src(%dma_wait3A_238 : memref<1792xf32, #tpu.memory_space<hbm>>) dst(%arg19 : memref<1792xf32, #tpu.memory_space<vmem>>)
          } else {
          }
          %dma_wait3A_193 = tpu.memref_slice %arg3[%add3A_23, %mul3A_187] : memref<4x50176xi32, #tpu.memory_space<hbm>> -> memref<1x1792xi32, #tpu.memory_space<hbm>>
          %dma_wait3A_194 = tpu.memref_squeeze %dma_wait3A_193 : memref<1x1792xi32, #tpu.memory_space<hbm>> -> memref<1792xi32, #tpu.memory_space<hbm>>
          %dma_wait3A_195 = tpu.memref_slice %arg3[%add3A_23, %mul3A_187] : memref<4x50176xi32, #tpu.memory_space<hbm>> -> memref<1x1792xi32, #tpu.memory_space<hbm>>
          %dma_wait3A_196 = tpu.memref_squeeze %dma_wait3A_195 : memref<1x1792xi32, #tpu.memory_space<hbm>> -> memref<1792xi32, #tpu.memory_space<hbm>>
          tpu.wait_dma2 semaphore(%arg26 : memref<!tpu.dma_semaphore, #tpu.memory_space<semaphore_mem>>) src(%dma_wait3A_196 : memref<1792xi32, #tpu.memory_space<hbm>>) dst(%arg20 : memref<1792xi32, #tpu.memory_space<vmem>>)
          %dma_wait3A_197 = tpu.memref_slice %arg4[%add3A_23, %mul3A_187] : memref<4x50176xf32, #tpu.memory_space<hbm>> -> memref<1x1792xf32, #tpu.memory_space<hbm>>
          %dma_wait3A_198 = tpu.memref_squeeze %dma_wait3A_197 : memref<1x1792xf32, #tpu.memory_space<hbm>> -> memref<1792xf32, #tpu.memory_space<hbm>>
          %dma_wait3A_199 = tpu.memref_slice %arg4[%add3A_23, %mul3A_187] : memref<4x50176xf32, #tpu.memory_space<hbm>> -> memref<1x1792xf32, #tpu.memory_space<hbm>>
          %dma_wait3A_200 = tpu.memref_squeeze %dma_wait3A_199 : memref<1x1792xf32, #tpu.memory_space<hbm>> -> memref<1792xf32, #tpu.memory_space<hbm>>
          tpu.wait_dma2 semaphore(%arg26 : memref<!tpu.dma_semaphore, #tpu.memory_space<semaphore_mem>>) src(%dma_wait3A_200 : memref<1792xf32, #tpu.memory_space<hbm>>) dst(%arg21 : memref<1792xf32, #tpu.memory_space<vmem>>)
          %dma_wait3A_201 = tpu.memref_slice %arg5[%add3A_23, %mul3A_187] : memref<4x50176xf32, #tpu.memory_space<hbm>> -> memref<1x1792xf32, #tpu.memory_space<hbm>>
          %dma_wait3A_202 = tpu.memref_squeeze %dma_wait3A_201 : memref<1x1792xf32, #tpu.memory_space<hbm>> -> memref<1792xf32, #tpu.memory_space<hbm>>
          %dma_wait3A_203 = tpu.memref_slice %arg5[%add3A_23, %mul3A_187] : memref<4x50176xf32, #tpu.memory_space<hbm>> -> memref<1x1792xf32, #tpu.memory_space<hbm>>
          %dma_wait3A_204 = tpu.memref_squeeze %dma_wait3A_203 : memref<1x1792xf32, #tpu.memory_space<hbm>> -> memref<1792xf32, #tpu.memory_space<hbm>>
          tpu.wait_dma2 semaphore(%arg26 : memref<!tpu.dma_semaphore, #tpu.memory_space<semaphore_mem>>) src(%dma_wait3A_204 : memref<1792xf32, #tpu.memory_space<hbm>>) dst(%arg22 : memref<1792xf32, #tpu.memory_space<vmem>>)
          %dma_wait3A_205 = tpu.memref_slice %arg6[%add3A_23, %mul3A_187] : memref<4x50176xf32, #tpu.memory_space<hbm>> -> memref<1x1792xf32, #tpu.memory_space<hbm>>
          %dma_wait3A_206 = tpu.memref_squeeze %dma_wait3A_205 : memref<1x1792xf32, #tpu.memory_space<hbm>> -> memref<1792xf32, #tpu.memory_space<hbm>>
          %dma_wait3A_207 = tpu.memref_slice %arg6[%add3A_23, %mul3A_187] : memref<4x50176xf32, #tpu.memory_space<hbm>> -> memref<1x1792xf32, #tpu.memory_space<hbm>>
          %dma_wait3A_208 = tpu.memref_squeeze %dma_wait3A_207 : memref<1x1792xf32, #tpu.memory_space<hbm>> -> memref<1792xf32, #tpu.memory_space<hbm>>
          tpu.wait_dma2 semaphore(%arg26 : memref<!tpu.dma_semaphore, #tpu.memory_space<semaphore_mem>>) src(%dma_wait3A_208 : memref<1792xf32, #tpu.memory_space<hbm>>) dst(%arg23 : memref<1792xf32, #tpu.memory_space<vmem>>)
          %dma_wait3A_209 = tpu.memref_slice %arg7[%add3A_23, %mul3A_187] : memref<4x50176xf32, #tpu.memory_space<hbm>> -> memref<1x1792xf32, #tpu.memory_space<hbm>>
          %dma_wait3A_210 = tpu.memref_squeeze %dma_wait3A_209 : memref<1x1792xf32, #tpu.memory_space<hbm>> -> memref<1792xf32, #tpu.memory_space<hbm>>
          %dma_wait3A_211 = tpu.memref_slice %arg7[%add3A_23, %mul3A_187] : memref<4x50176xf32, #tpu.memory_space<hbm>> -> memref<1x1792xf32, #tpu.memory_space<hbm>>
          %dma_wait3A_212 = tpu.memref_squeeze %dma_wait3A_211 : memref<1x1792xf32, #tpu.memory_space<hbm>> -> memref<1792xf32, #tpu.memory_space<hbm>>
          tpu.wait_dma2 semaphore(%arg26 : memref<!tpu.dma_semaphore, #tpu.memory_space<semaphore_mem>>) src(%dma_wait3A_212 : memref<1792xf32, #tpu.memory_space<hbm>>) dst(%arg24 : memref<1792xf32, #tpu.memory_space<vmem>>)
          %parallel_loop3A_213 = arith.constant 0 : i32
          %parallel_loop3A_214 = arith.constant 112 : i32
          %parallel_loop3A_215 = arith.constant 1 : i32
          scf.for %parallel_loop3A_223 = %parallel_loop3A_213 to %parallel_loop3A_214 step %parallel_loop3A_215  : i32 {
            %parallel_loop3A_224 = arith.constant 16 : i32
            %parallel_loop3A_225 = arith.muli %parallel_loop3A_223, %parallel_loop3A_224 : i32
            %parallel_loop3A_226 = arith.index_cast %parallel_loop3A_225 : i32 to index
            %parallel_loop3A_227 = tpu.vector_load %arg18[%parallel_loop3A_226] {strides = array<i32>} : memref<1792xf32, #tpu.memory_space<vmem>>, vector<16xf32>,
            %parallel_loop3A_228 = arith.index_cast %parallel_loop3A_225 : i32 to index
            %parallel_loop3A_229 = tpu.vector_load %arg19[%parallel_loop3A_228] {strides = array<i32>} : memref<1792xf32, #tpu.memory_space<vmem>>, vector<16xf32>,
            %parallel_loop3A_230 = arith.index_cast %parallel_loop3A_225 : i32 to index
            %parallel_loop3A_231 = tpu.vector_load %arg20[%parallel_loop3A_230] {strides = array<i32>} : memref<1792xi32, #tpu.memory_space<vmem>>, vector<16xi32>,
            %parallel_loop3A_232 = arith.constant 1 : i32
            %parallel_loop3A_233 = vector.broadcast %parallel_loop3A_232 : i32 to vector<16xi32>
            %parallel_loop3A_234 = arith.addi %parallel_loop3A_231, %parallel_loop3A_233 : vector<16xi32>
            %parallel_loop3A_235 = arith.constant 224 : i32
            %parallel_loop3A_236 = vector.broadcast %parallel_loop3A_235 : i32 to vector<16xi32>
            %parallel_loop3A_237 = arith.addi %parallel_loop3A_231, %parallel_loop3A_236 : vector<16xi32>
            %parallel_loop3A_238 = arith.constant 225 : i32
            %parallel_loop3A_239 = vector.broadcast %parallel_loop3A_238 : i32 to vector<16xi32>
            %parallel_loop3A_240 = arith.addi %parallel_loop3A_231, %parallel_loop3A_239 : vector<16xi32>
            %parallel_loop3A_241 = arith.index_cast %parallel_loop3A_225 : i32 to index
            %parallel_loop3A_242 = tpu.vector_load %arg21[%parallel_loop3A_241] {strides = array<i32>} : memref<1792xf32, #tpu.memory_space<vmem>>, vector<16xf32>,
            %parallel_loop3A_243 = arith.index_cast %parallel_loop3A_225 : i32 to index
            %parallel_loop3A_244 = tpu.vector_load %arg22[%parallel_loop3A_243] {strides = array<i32>} : memref<1792xf32, #tpu.memory_space<vmem>>, vector<16xf32>,
            %parallel_loop3A_245 = arith.index_cast %parallel_loop3A_225 : i32 to index
            %parallel_loop3A_246 = tpu.vector_load %arg23[%parallel_loop3A_245] {strides = array<i32>} : memref<1792xf32, #tpu.memory_space<vmem>>, vector<16xf32>,
            %parallel_loop3A_247 = arith.index_cast %parallel_loop3A_225 : i32 to index
            %parallel_loop3A_248 = tpu.vector_load %arg24[%parallel_loop3A_247] {strides = array<i32>} : memref<1792xf32, #tpu.memory_space<vmem>>, vector<16xf32>,
            %parallel_loop3A_249 = arith.mulf %parallel_loop3A_227, %parallel_loop3A_242 : vector<16xf32>
            tpu.vector_store_idx %arg9[%parallel_loop3A_231], %parallel_loop3A_249 {add = true} : memref<50656xf32, #tpu.memory_space<vmem>>[vector<16xi32>], vector<16xf32>,
            %parallel_loop3A_250 = arith.mulf %parallel_loop3A_229, %parallel_loop3A_242 : vector<16xf32>
            tpu.vector_store_idx %arg10[%parallel_loop3A_231], %parallel_loop3A_250 {add = true} : memref<50656xf32, #tpu.memory_space<vmem>>[vector<16xi32>], vector<16xf32>,
            %parallel_loop3A_251 = arith.mulf %parallel_loop3A_227, %parallel_loop3A_244 : vector<16xf32>
            tpu.vector_store_idx %arg9[%parallel_loop3A_234], %parallel_loop3A_251 {add = true} : memref<50656xf32, #tpu.memory_space<vmem>>[vector<16xi32>], vector<16xf32>,
            %parallel_loop3A_252 = arith.mulf %parallel_loop3A_229, %parallel_loop3A_244 : vector<16xf32>
            tpu.vector_store_idx %arg10[%parallel_loop3A_234], %parallel_loop3A_252 {add = true} : memref<50656xf32, #tpu.memory_space<vmem>>[vector<16xi32>], vector<16xf32>,
            %parallel_loop3A_253 = arith.mulf %parallel_loop3A_227, %parallel_loop3A_246 : vector<16xf32>
            tpu.vector_store_idx %arg9[%parallel_loop3A_237], %parallel_loop3A_253 {add = true} : memref<50656xf32, #tpu.memory_space<vmem>>[vector<16xi32>], vector<16xf32>,
            %parallel_loop3A_254 = arith.mulf %parallel_loop3A_229, %parallel_loop3A_246 : vector<16xf32>
            tpu.vector_store_idx %arg10[%parallel_loop3A_237], %parallel_loop3A_254 {add = true} : memref<50656xf32, #tpu.memory_space<vmem>>[vector<16xi32>], vector<16xf32>,
            %parallel_loop3A_255 = arith.mulf %parallel_loop3A_227, %parallel_loop3A_248 : vector<16xf32>
            tpu.vector_store_idx %arg9[%parallel_loop3A_240], %parallel_loop3A_255 {add = true} : memref<50656xf32, #tpu.memory_space<vmem>>[vector<16xi32>], vector<16xf32>,
            %parallel_loop3A_256 = arith.mulf %parallel_loop3A_229, %parallel_loop3A_248 : vector<16xf32>
            tpu.vector_store_idx %arg10[%parallel_loop3A_240], %parallel_loop3A_256 {add = true} : memref<50656xf32, #tpu.memory_space<vmem>>[vector<16xi32>], vector<16xf32>,
          } {sc.loop_unroll_factor = 8 : i64, sc.parallel_access}
          %add3A_216 = arith.constant 2 : i32
          %add3A_217 = arith.addi %add3A_185, %add3A_216 : i32
          %lt3A_218 = arith.constant 28 : i32
          %lt3A_219 = arith.cmpi slt, %add3A_217, %lt3A_218 : i32
          %convert_element_type3A_220 = arith.extui %lt3A_219 : i1 to i32
          %cond3A_221 = arith.constant 0 : i32
          %cond3A_222 = arith.cmpi ne, %convert_element_type3A_220, %cond3A_221 : i32
          scf.if %cond3A_222 {
            %add3A_223 = arith.constant 2 : i32
            %add3A_224 = arith.addi %add3A_185, %add3A_223 : i32
            %mul3A_225 = arith.constant 1792 : i32
            %mul3A_226 = arith.muli %add3A_224, %mul3A_225 : i32
            %not3A_227 = arith.constant true
            %not3A_228 = arith.xori %eq3A_28, %not3A_227 : i1
            %convert_element_type3A_229 = arith.extui %not3A_228 : i1 to i32
            %cond3A_230 = arith.constant 0 : i32
            %cond3A_231 = arith.cmpi ne, %convert_element_type3A_229, %cond3A_230 : i32
            scf.if %cond3A_231 {
              %mul3A_252 = arith.constant 96 : i32
              %mul3A_253 = arith.muli %add3A_23, %mul3A_252 : i32
              %add3A_254 = arith.addi %mul3A_253, %mul3A_27 : i32
              %dma_start3A_255 = tpu.memref_slice %arg2[%add3A_254, %mul3A_226] : memref<384x50176xf32, #tpu.memory_space<hbm>> -> memref<1x1792xf32, #tpu.memory_space<hbm>>
              %dma_start3A_256 = tpu.memref_squeeze %dma_start3A_255 : memref<1x1792xf32, #tpu.memory_space<hbm>> -> memref<1792xf32, #tpu.memory_space<hbm>>
              %dma_start3A_257 = tpu.memref_slice %arg2[%add3A_254, %mul3A_226] : memref<384x50176xf32, #tpu.memory_space<hbm>> -> memref<1x1792xf32, #tpu.memory_space<hbm>>
              %dma_start3A_258 = tpu.memref_squeeze %dma_start3A_257 : memref<1x1792xf32, #tpu.memory_space<hbm>> -> memref<1792xf32, #tpu.memory_space<hbm>>
              tpu.enqueue_dma source(%dma_start3A_258 : memref<1792xf32, #tpu.memory_space<hbm>>) target(%arg18 : memref<1792xf32, #tpu.memory_space<vmem>>) target_semaphore(%arg26 : memref<!tpu.dma_semaphore, #tpu.memory_space<semaphore_mem>>)
              %mul3A_259 = arith.constant 96 : i32
              %mul3A_260 = arith.muli %add3A_23, %mul3A_259 : i32
              %add3A_261 = arith.addi %mul3A_260, %mul3A_27 : i32
              %add3A_262 = arith.constant 1 : i32
              %add3A_263 = arith.addi %add3A_261, %add3A_262 : i32
              %dma_start3A_264 = tpu.memref_slice %arg2[%add3A_263, %mul3A_226] : memref<384x50176xf32, #tpu.memory_space<hbm>> -> memref<1x1792xf32, #tpu.memory_space<hbm>>
              %dma_start3A_265 = tpu.memref_squeeze %dma_start3A_264 : memref<1x1792xf32, #tpu.memory_space<hbm>> -> memref<1792xf32, #tpu.memory_space<hbm>>
              %dma_start3A_266 = tpu.memref_slice %arg2[%add3A_263, %mul3A_226] : memref<384x50176xf32, #tpu.memory_space<hbm>> -> memref<1x1792xf32, #tpu.memory_space<hbm>>
              %dma_start3A_267 = tpu.memref_squeeze %dma_start3A_266 : memref<1x1792xf32, #tpu.memory_space<hbm>> -> memref<1792xf32, #tpu.memory_space<hbm>>
              tpu.enqueue_dma source(%dma_start3A_267 : memref<1792xf32, #tpu.memory_space<hbm>>) target(%arg19 : memref<1792xf32, #tpu.memory_space<vmem>>) target_semaphore(%arg26 : memref<!tpu.dma_semaphore, #tpu.memory_space<semaphore_mem>>)
            } else {
            }
            %dma_start3A_232 = tpu.memref_slice %arg3[%add3A_23, %mul3A_226] : memref<4x50176xi32, #tpu.memory_space<hbm>> -> memref<1x1792xi32, #tpu.memory_space<hbm>>
            %dma_start3A_233 = tpu.memref_squeeze %dma_start3A_232 : memref<1x1792xi32, #tpu.memory_space<hbm>> -> memref<1792xi32, #tpu.memory_space<hbm>>
            %dma_start3A_234 = tpu.memref_slice %arg3[%add3A_23, %mul3A_226] : memref<4x50176xi32, #tpu.memory_space<hbm>> -> memref<1x1792xi32, #tpu.memory_space<hbm>>
            %dma_start3A_235 = tpu.memref_squeeze %dma_start3A_234 : memref<1x1792xi32, #tpu.memory_space<hbm>> -> memref<1792xi32, #tpu.memory_space<hbm>>
            tpu.enqueue_dma source(%dma_start3A_235 : memref<1792xi32, #tpu.memory_space<hbm>>) target(%arg20 : memref<1792xi32, #tpu.memory_space<vmem>>) target_semaphore(%arg26 : memref<!tpu.dma_semaphore, #tpu.memory_space<semaphore_mem>>)
            %dma_start3A_236 = tpu.memref_slice %arg4[%add3A_23, %mul3A_226] : memref<4x50176xf32, #tpu.memory_space<hbm>> -> memref<1x1792xf32, #tpu.memory_space<hbm>>
            %dma_start3A_237 = tpu.memref_squeeze %dma_start3A_236 : memref<1x1792xf32, #tpu.memory_space<hbm>> -> memref<1792xf32, #tpu.memory_space<hbm>>
            %dma_start3A_238 = tpu.memref_slice %arg4[%add3A_23, %mul3A_226] : memref<4x50176xf32, #tpu.memory_space<hbm>> -> memref<1x1792xf32, #tpu.memory_space<hbm>>
            %dma_start3A_239 = tpu.memref_squeeze %dma_start3A_238 : memref<1x1792xf32, #tpu.memory_space<hbm>> -> memref<1792xf32, #tpu.memory_space<hbm>>
            tpu.enqueue_dma source(%dma_start3A_239 : memref<1792xf32, #tpu.memory_space<hbm>>) target(%arg21 : memref<1792xf32, #tpu.memory_space<vmem>>) target_semaphore(%arg26 : memref<!tpu.dma_semaphore, #tpu.memory_space<semaphore_mem>>)
            %dma_start3A_240 = tpu.memref_slice %arg5[%add3A_23, %mul3A_226] : memref<4x50176xf32, #tpu.memory_space<hbm>> -> memref<1x1792xf32, #tpu.memory_space<hbm>>
            %dma_start3A_241 = tpu.memref_squeeze %dma_start3A_240 : memref<1x1792xf32, #tpu.memory_space<hbm>> -> memref<1792xf32, #tpu.memory_space<hbm>>
            %dma_start3A_242 = tpu.memref_slice %arg5[%add3A_23, %mul3A_226] : memref<4x50176xf32, #tpu.memory_space<hbm>> -> memref<1x1792xf32, #tpu.memory_space<hbm>>
            %dma_start3A_243 = tpu.memref_squeeze %dma_start3A_242 : memref<1x1792xf32, #tpu.memory_space<hbm>> -> memref<1792xf32, #tpu.memory_space<hbm>>
            tpu.enqueue_dma source(%dma_start3A_243 : memref<1792xf32, #tpu.memory_space<hbm>>) target(%arg22 : memref<1792xf32, #tpu.memory_space<vmem>>) target_semaphore(%arg26 : memref<!tpu.dma_semaphore, #tpu.memory_space<semaphore_mem>>)
            %dma_start3A_244 = tpu.memref_slice %arg6[%add3A_23, %mul3A_226] : memref<4x50176xf32, #tpu.memory_space<hbm>> -> memref<1x1792xf32, #tpu.memory_space<hbm>>
            %dma_start3A_245 = tpu.memref_squeeze %dma_start3A_244 : memref<1x1792xf32, #tpu.memory_space<hbm>> -> memref<1792xf32, #tpu.memory_space<hbm>>
            %dma_start3A_246 = tpu.memref_slice %arg6[%add3A_23, %mul3A_226] : memref<4x50176xf32, #tpu.memory_space<hbm>> -> memref<1x1792xf32, #tpu.memory_space<hbm>>
            %dma_start3A_247 = tpu.memref_squeeze %dma_start3A_246 : memref<1x1792xf32, #tpu.memory_space<hbm>> -> memref<1792xf32, #tpu.memory_space<hbm>>
            tpu.enqueue_dma source(%dma_start3A_247 : memref<1792xf32, #tpu.memory_space<hbm>>) target(%arg23 : memref<1792xf32, #tpu.memory_space<vmem>>) target_semaphore(%arg26 : memref<!tpu.dma_semaphore, #tpu.memory_space<semaphore_mem>>)
            %dma_start3A_248 = tpu.memref_slice %arg7[%add3A_23, %mul3A_226] : memref<4x50176xf32, #tpu.memory_space<hbm>> -> memref<1x1792xf32, #tpu.memory_space<hbm>>
            %dma_start3A_249 = tpu.memref_squeeze %dma_start3A_248 : memref<1x1792xf32, #tpu.memory_space<hbm>> -> memref<1792xf32, #tpu.memory_space<hbm>>
            %dma_start3A_250 = tpu.memref_slice %arg7[%add3A_23, %mul3A_226] : memref<4x50176xf32, #tpu.memory_space<hbm>> -> memref<1x1792xf32, #tpu.memory_space<hbm>>
            %dma_start3A_251 = tpu.memref_squeeze %dma_start3A_250 : memref<1x1792xf32, #tpu.memory_space<hbm>> -> memref<1792xf32, #tpu.memory_space<hbm>>
            tpu.enqueue_dma source(%dma_start3A_251 : memref<1792xf32, #tpu.memory_space<hbm>>) target(%arg24 : memref<1792xf32, #tpu.memory_space<vmem>>) target_semaphore(%arg26 : memref<!tpu.dma_semaphore, #tpu.memory_space<semaphore_mem>>)
          } else {
          }
        }
        %scan3A_107 = arith.constant 14 : i32
        %mul3A_108 = arith.constant 97 : i32
        %mul3A_109 = arith.muli %add3A_21, %mul3A_108 : i32
        %add3A_110 = arith.addi %mul3A_109, %mul3A_27 : i32
        %dma_start3A_111 = arith.constant 240 : i32
        %dma_start3A_112 = tpu.memref_slice %arg9[%dma_start3A_111] : memref<50656xf32, #tpu.memory_space<vmem>> -> memref<50176xf32, #tpu.memory_space<vmem>>
        %dma_start3A_113 = arith.constant 0 : i32
        %dma_start3A_114 = tpu.memref_slice %arg8[%add3A_110, %dma_start3A_113] : memref<388x50176xf32, #tpu.memory_space<hbm>> -> memref<1x50176xf32, #tpu.memory_space<hbm>>
        %dma_start3A_115 = tpu.memref_squeeze %dma_start3A_114 : memref<1x50176xf32, #tpu.memory_space<hbm>> -> memref<50176xf32, #tpu.memory_space<hbm>>
        %dma_start3A_116 = arith.constant 0 : i32
        %dma_start3A_117 = tpu.memref_slice %arg8[%add3A_110, %dma_start3A_116] : memref<388x50176xf32, #tpu.memory_space<hbm>> -> memref<1x50176xf32, #tpu.memory_space<hbm>>
        %dma_start3A_118 = tpu.memref_squeeze %dma_start3A_117 : memref<1x50176xf32, #tpu.memory_space<hbm>> -> memref<50176xf32, #tpu.memory_space<hbm>>
        %dma_start3A_119 = arith.constant 240 : i32
        %dma_start3A_120 = tpu.memref_slice %arg9[%dma_start3A_119] : memref<50656xf32, #tpu.memory_space<vmem>> -> memref<50176xf32, #tpu.memory_space<vmem>>
        tpu.enqueue_dma source(%dma_start3A_120 : memref<50176xf32, #tpu.memory_space<vmem>>) target(%dma_start3A_118 : memref<50176xf32, #tpu.memory_space<hbm>>) target_semaphore(%arg25 : memref<!tpu.dma_semaphore, #tpu.memory_space<semaphore_mem>>)
        %not3A_121 = arith.constant true
        %not3A_122 = arith.xori %eq3A_28, %not3A_121 : i1
        %convert_element_type3A_123 = arith.extui %not3A_122 : i1 to i32
        %cond3A_124 = arith.constant 0 : i32
        %cond3A_125 = arith.cmpi ne, %convert_element_type3A_123, %cond3A_124 : i32
        scf.if %cond3A_125 {
          %add3A_140 = arith.constant 1 : i32
          %add3A_141 = arith.addi %add3A_110, %add3A_140 : i32
          %dma_start3A_142 = arith.constant 240 : i32
          %dma_start3A_143 = tpu.memref_slice %arg10[%dma_start3A_142] : memref<50656xf32, #tpu.memory_space<vmem>> -> memref<50176xf32, #tpu.memory_space<vmem>>
          %dma_start3A_144 = arith.constant 0 : i32
          %dma_start3A_145 = tpu.memref_slice %arg8[%add3A_141, %dma_start3A_144] : memref<388x50176xf32, #tpu.memory_space<hbm>> -> memref<1x50176xf32, #tpu.memory_space<hbm>>
          %dma_start3A_146 = tpu.memref_squeeze %dma_start3A_145 : memref<1x50176xf32, #tpu.memory_space<hbm>> -> memref<50176xf32, #tpu.memory_space<hbm>>
          %dma_start3A_147 = arith.constant 0 : i32
          %dma_start3A_148 = tpu.memref_slice %arg8[%add3A_141, %dma_start3A_147] : memref<388x50176xf32, #tpu.memory_space<hbm>> -> memref<1x50176xf32, #tpu.memory_space<hbm>>
          %dma_start3A_149 = tpu.memref_squeeze %dma_start3A_148 : memref<1x50176xf32, #tpu.memory_space<hbm>> -> memref<50176xf32, #tpu.memory_space<hbm>>
          %dma_start3A_150 = arith.constant 240 : i32
          %dma_start3A_151 = tpu.memref_slice %arg10[%dma_start3A_150] : memref<50656xf32, #tpu.memory_space<vmem>> -> memref<50176xf32, #tpu.memory_space<vmem>>
          tpu.enqueue_dma source(%dma_start3A_151 : memref<50176xf32, #tpu.memory_space<vmem>>) target(%dma_start3A_149 : memref<50176xf32, #tpu.memory_space<hbm>>) target_semaphore(%arg26 : memref<!tpu.dma_semaphore, #tpu.memory_space<semaphore_mem>>)
        } else {
        }
        %dma_wait3A = arith.constant 240 : i32
        %dma_wait3A_126 = tpu.memref_slice %arg9[%dma_wait3A] : memref<50656xf32, #tpu.memory_space<vmem>> -> memref<50176xf32, #tpu.memory_space<vmem>>
        %dma_wait3A_127 = arith.constant 0 : i32
        %dma_wait3A_128 = tpu.memref_slice %arg8[%add3A_110, %dma_wait3A_127] : memref<388x50176xf32, #tpu.memory_space<hbm>> -> memref<1x50176xf32, #tpu.memory_space<hbm>>
        %dma_wait3A_129 = tpu.memref_squeeze %dma_wait3A_128 : memref<1x50176xf32, #tpu.memory_space<hbm>> -> memref<50176xf32, #tpu.memory_space<hbm>>
        %dma_wait3A_130 = arith.constant 0 : i32
        %dma_wait3A_131 = tpu.memref_slice %arg8[%add3A_110, %dma_wait3A_130] : memref<388x50176xf32, #tpu.memory_space<hbm>> -> memref<1x50176xf32, #tpu.memory_space<hbm>>
        %dma_wait3A_132 = tpu.memref_squeeze %dma_wait3A_131 : memref<1x50176xf32, #tpu.memory_space<hbm>> -> memref<50176xf32, #tpu.memory_space<hbm>>
        %dma_wait3A_133 = arith.constant 240 : i32
        %dma_wait3A_134 = tpu.memref_slice %arg9[%dma_wait3A_133] : memref<50656xf32, #tpu.memory_space<vmem>> -> memref<50176xf32, #tpu.memory_space<vmem>>
        tpu.wait_dma2 semaphore(%arg25 : memref<!tpu.dma_semaphore, #tpu.memory_space<semaphore_mem>>) src(%dma_wait3A_134 : memref<50176xf32, #tpu.memory_space<vmem>>) dst(%dma_wait3A_132 : memref<50176xf32, #tpu.memory_space<hbm>>)
        %not3A_135 = arith.constant true
        %not3A_136 = arith.xori %eq3A_28, %not3A_135 : i1
        %convert_element_type3A_137 = arith.extui %not3A_136 : i1 to i32
        %cond3A_138 = arith.constant 0 : i32
        %cond3A_139 = arith.cmpi ne, %convert_element_type3A_137, %cond3A_138 : i32
        scf.if %cond3A_139 {
          %add3A_140 = arith.constant 1 : i32
          %add3A_141 = arith.addi %add3A_110, %add3A_140 : i32
          %dma_wait3A_142 = arith.constant 240 : i32
          %dma_wait3A_143 = tpu.memref_slice %arg10[%dma_wait3A_142] : memref<50656xf32, #tpu.memory_space<vmem>> -> memref<50176xf32, #tpu.memory_space<vmem>>
          %dma_wait3A_144 = arith.constant 0 : i32
          %dma_wait3A_145 = tpu.memref_slice %arg8[%add3A_141, %dma_wait3A_144] : memref<388x50176xf32, #tpu.memory_space<hbm>> -> memref<1x50176xf32, #tpu.memory_space<hbm>>
          %dma_wait3A_146 = tpu.memref_squeeze %dma_wait3A_145 : memref<1x50176xf32, #tpu.memory_space<hbm>> -> memref<50176xf32, #tpu.memory_space<hbm>>
          %dma_wait3A_147 = arith.constant 0 : i32
          %dma_wait3A_148 = tpu.memref_slice %arg8[%add3A_141, %dma_wait3A_147] : memref<388x50176xf32, #tpu.memory_space<hbm>> -> memref<1x50176xf32, #tpu.memory_space<hbm>>
          %dma_wait3A_149 = tpu.memref_squeeze %dma_wait3A_148 : memref<1x50176xf32, #tpu.memory_space<hbm>> -> memref<50176xf32, #tpu.memory_space<hbm>>
          %dma_wait3A_150 = arith.constant 240 : i32
          %dma_wait3A_151 = tpu.memref_slice %arg10[%dma_wait3A_150] : memref<50656xf32, #tpu.memory_space<vmem>> -> memref<50176xf32, #tpu.memory_space<vmem>>
          tpu.wait_dma2 semaphore(%arg26 : memref<!tpu.dma_semaphore, #tpu.memory_space<semaphore_mem>>) src(%dma_wait3A_151 : memref<50176xf32, #tpu.memory_space<vmem>>) dst(%dma_wait3A_149 : memref<50176xf32, #tpu.memory_space<hbm>>)
        } else {
        }
      } else {
      }
    }
    %scan3A_5 = arith.constant 7 : i32
    return
  }
}

module attributes {stable_mosaic.version = 14 : i64} {
  func.func @_pre_body(%arg0: i32, %arg1: memref<1x1x224x224xf32, #tpu.memory_space<vmem>>, %arg2: memref<1x1x224x224xf32, #tpu.memory_space<vmem>>, %arg3: memref<1x1x224x224xf32, #tpu.memory_space<vmem>>, %arg4: memref<1x1x224x224xi32, #tpu.memory_space<vmem>>, %arg5: memref<1x1x224x224xf32, #tpu.memory_space<vmem>>, %arg6: memref<1x1x224x224xf32, #tpu.memory_space<vmem>>, %arg7: memref<1x1x224x224xf32, #tpu.memory_space<vmem>>, %arg8: memref<1x1x224x224xf32, #tpu.memory_space<vmem>>) attributes {dimension_semantics = [#tpu.dimension_semantics<arbitrary>], iteration_bounds = array<i64: 4>, scalar_prefetch = 0 : i64, scratch_operands = 0 : i64, tpu.core_type = #tpu.core_type<tc>, window_params = [{transform_indices = @transform_0, window_bounds = array<i64: 1, 1, 224, 224>}, {transform_indices = @transform_1, window_bounds = array<i64: 1, 1, 224, 224>}, {transform_indices = @transform_2, window_bounds = array<i64: 1, 1, 224, 224>}, {transform_indices = @transform_3, window_bounds = array<i64: 1, 1, 224, 224>}, {transform_indices = @transform_4, window_bounds = array<i64: 1, 1, 224, 224>}, {transform_indices = @transform_5, window_bounds = array<i64: 1, 1, 224, 224>}, {transform_indices = @transform_6, window_bounds = array<i64: 1, 1, 224, 224>}, {transform_indices = @transform_7, window_bounds = array<i64: 1, 1, 224, 224>}]} {
    %iota3A = tpu.iota {dimensions = array<i32: 3>} : vector<1x1x224x224xi32>
    %convert_element_type3A = arith.sitofp %iota3A : vector<1x1x224x224xi32> to vector<1x1x224x224xf32>
    %iota3A_0 = tpu.iota {dimensions = array<i32: 2>} : vector<1x1x224x224xi32>
    %convert_element_type3A_1 = arith.sitofp %iota3A_0 : vector<1x1x224x224xi32> to vector<1x1x224x224xf32>
    %get3A = arith.constant 0 : index
    %get3A_2 = arith.constant 0 : index
    %get3A_3 = arith.constant 0 : index
    %get3A_4 = arith.constant 0 : index
    %get3A_5 = vector.load %arg1[%get3A, %get3A_2, %get3A_3, %get3A_4] : memref<1x1x224x224xf32, #tpu.memory_space<vmem>>, vector<1x1x224x224xf32>
    %add3A = arith.addf %convert_element_type3A, %get3A_5 : vector<1x1x224x224xf32>
    %get3A_6 = arith.constant 0 : index
    %get3A_7 = arith.constant 0 : index
    %get3A_8 = arith.constant 0 : index
    %get3A_9 = arith.constant 0 : index
    %get3A_10 = vector.load %arg2[%get3A_6, %get3A_7, %get3A_8, %get3A_9] : memref<1x1x224x224xf32, #tpu.memory_space<vmem>>, vector<1x1x224x224xf32>
    %add3A_11 = arith.addf %convert_element_type3A_1, %get3A_10 : vector<1x1x224x224xf32>
    %floor3A = math.floor %add3A : vector<1x1x224x224xf32>
    %floor3A_12 = math.floor %add3A_11 : vector<1x1x224x224xf32>
    %convert_element_type3A_13 = arith.fptosi %floor3A : vector<1x1x224x224xf32> to vector<1x1x224x224xi32>
    %convert_element_type3A_14 = arith.fptosi %floor3A_12 : vector<1x1x224x224xf32> to vector<1x1x224x224xi32>
    %sub3A = arith.subf %add3A, %floor3A : vector<1x1x224x224xf32>
    %sub3A_15 = arith.subf %add3A_11, %floor3A_12 : vector<1x1x224x224xf32>
    %get3A_16 = arith.constant 0 : index
    %get3A_17 = arith.constant 0 : index
    %get3A_18 = arith.constant 0 : index
    %get3A_19 = arith.constant 0 : index
    %get3A_20 = vector.load %arg3[%get3A_16, %get3A_17, %get3A_18, %get3A_19] : memref<1x1x224x224xf32, #tpu.memory_space<vmem>>, vector<1x1x224x224xf32>
    %exp3A = math.exp %get3A_20 : vector<1x1x224x224xf32>
    %ge3A = arith.constant 0 : i32
    %ge3A_21 = vector.broadcast %ge3A : i32 to vector<1x1x224x224xi32>
    %ge3A_22 = arith.cmpi sge, %convert_element_type3A_13, %ge3A_21 : vector<1x1x224x224xi32>
    %lt3A = arith.constant 224 : i32
    %lt3A_23 = vector.broadcast %lt3A : i32 to vector<1x1x224x224xi32>
    %lt3A_24 = arith.cmpi slt, %convert_element_type3A_13, %lt3A_23 : vector<1x1x224x224xi32>
    %and3A = arith.andi %ge3A_22, %lt3A_24 : vector<1x1x224x224xi1>
    %ge3A_25 = arith.constant -1 : i32
    %ge3A_26 = vector.broadcast %ge3A_25 : i32 to vector<1x1x224x224xi32>
    %ge3A_27 = arith.cmpi sge, %convert_element_type3A_13, %ge3A_26 : vector<1x1x224x224xi32>
    %lt3A_28 = arith.constant 223 : i32
    %lt3A_29 = vector.broadcast %lt3A_28 : i32 to vector<1x1x224x224xi32>
    %lt3A_30 = arith.cmpi slt, %convert_element_type3A_13, %lt3A_29 : vector<1x1x224x224xi32>
    %and3A_31 = arith.andi %ge3A_27, %lt3A_30 : vector<1x1x224x224xi1>
    %ge3A_32 = arith.constant 0 : i32
    %ge3A_33 = vector.broadcast %ge3A_32 : i32 to vector<1x1x224x224xi32>
    %ge3A_34 = arith.cmpi sge, %convert_element_type3A_14, %ge3A_33 : vector<1x1x224x224xi32>
    %lt3A_35 = arith.constant 224 : i32
    %lt3A_36 = vector.broadcast %lt3A_35 : i32 to vector<1x1x224x224xi32>
    %lt3A_37 = arith.cmpi slt, %convert_element_type3A_14, %lt3A_36 : vector<1x1x224x224xi32>
    %and3A_38 = arith.andi %ge3A_34, %lt3A_37 : vector<1x1x224x224xi1>
    %ge3A_39 = arith.constant -1 : i32
    %ge3A_40 = vector.broadcast %ge3A_39 : i32 to vector<1x1x224x224xi32>
    %ge3A_41 = arith.cmpi sge, %convert_element_type3A_14, %ge3A_40 : vector<1x1x224x224xi32>
    %lt3A_42 = arith.constant 223 : i32
    %lt3A_43 = vector.broadcast %lt3A_42 : i32 to vector<1x1x224x224xi32>
    %lt3A_44 = arith.cmpi slt, %convert_element_type3A_14, %lt3A_43 : vector<1x1x224x224xi32>
    %and3A_45 = arith.andi %ge3A_41, %lt3A_44 : vector<1x1x224x224xi1>
    %broadcast_in_dim3A = arith.constant 0.000000e+00 : f32
    %broadcast_in_dim3A_46 = vector.broadcast %broadcast_in_dim3A : f32 to vector<1x1x224x224xf32>
    %and3A_47 = arith.andi %and3A, %and3A_38 : vector<1x1x224x224xi1>
    %sub3A_48 = arith.constant 1.000000e+00 : f32
    %sub3A_49 = vector.broadcast %sub3A_48 : f32 to vector<1x1x224x224xf32>
    %sub3A_50 = arith.subf %sub3A_49, %sub3A : vector<1x1x224x224xf32>
    %sub3A_51 = arith.constant 1.000000e+00 : f32
    %sub3A_52 = vector.broadcast %sub3A_51 : f32 to vector<1x1x224x224xf32>
    %sub3A_53 = arith.subf %sub3A_52, %sub3A_15 : vector<1x1x224x224xf32>
    %mul3A = arith.mulf %sub3A_50, %sub3A_53 : vector<1x1x224x224xf32>
    %mul3A_54 = arith.mulf %mul3A, %exp3A : vector<1x1x224x224xf32>
    %select_n3A = arith.select %and3A_47, %mul3A_54, %broadcast_in_dim3A_46 : vector<1x1x224x224xi1>, vector<1x1x224x224xf32>
    %swap3A = arith.constant 0 : index
    %swap3A_55 = arith.constant 0 : index
    %swap3A_56 = arith.constant 0 : index
    %swap3A_57 = arith.constant 0 : index
    %swap3A_58 = vector.load %arg5[%swap3A, %swap3A_55, %swap3A_56, %swap3A_57] : memref<1x1x224x224xf32, #tpu.memory_space<vmem>>, vector<1x1x224x224xf32>
    tpu.vector_store %arg5[%swap3A, %swap3A_55, %swap3A_56, %swap3A_57], %select_n3A {strides = array<i32>} : memref<1x1x224x224xf32, #tpu.memory_space<vmem>>, vector<1x1x224x224xf32>,
    %and3A_59 = arith.andi %and3A_31, %and3A_38 : vector<1x1x224x224xi1>
    %sub3A_60 = arith.constant 1.000000e+00 : f32
    %sub3A_61 = vector.broadcast %sub3A_60 : f32 to vector<1x1x224x224xf32>
    %sub3A_62 = arith.subf %sub3A_61, %sub3A_15 : vector<1x1x224x224xf32>
    %mul3A_63 = arith.mulf %sub3A, %sub3A_62 : vector<1x1x224x224xf32>
    %mul3A_64 = arith.mulf %mul3A_63, %exp3A : vector<1x1x224x224xf32>
    %select_n3A_65 = arith.select %and3A_59, %mul3A_64, %broadcast_in_dim3A_46 : vector<1x1x224x224xi1>, vector<1x1x224x224xf32>
    %swap3A_66 = arith.constant 0 : index
    %swap3A_67 = arith.constant 0 : index
    %swap3A_68 = arith.constant 0 : index
    %swap3A_69 = arith.constant 0 : index
    %swap3A_70 = vector.load %arg6[%swap3A_66, %swap3A_67, %swap3A_68, %swap3A_69] : memref<1x1x224x224xf32, #tpu.memory_space<vmem>>, vector<1x1x224x224xf32>
    tpu.vector_store %arg6[%swap3A_66, %swap3A_67, %swap3A_68, %swap3A_69], %select_n3A_65 {strides = array<i32>} : memref<1x1x224x224xf32, #tpu.memory_space<vmem>>, vector<1x1x224x224xf32>,
    %and3A_71 = arith.andi %and3A, %and3A_45 : vector<1x1x224x224xi1>
    %sub3A_72 = arith.constant 1.000000e+00 : f32
    %sub3A_73 = vector.broadcast %sub3A_72 : f32 to vector<1x1x224x224xf32>
    %sub3A_74 = arith.subf %sub3A_73, %sub3A : vector<1x1x224x224xf32>
    %mul3A_75 = arith.mulf %sub3A_74, %sub3A_15 : vector<1x1x224x224xf32>
    %mul3A_76 = arith.mulf %mul3A_75, %exp3A : vector<1x1x224x224xf32>
    %select_n3A_77 = arith.select %and3A_71, %mul3A_76, %broadcast_in_dim3A_46 : vector<1x1x224x224xi1>, vector<1x1x224x224xf32>
    %swap3A_78 = arith.constant 0 : index
    %swap3A_79 = arith.constant 0 : index
    %swap3A_80 = arith.constant 0 : index
    %swap3A_81 = arith.constant 0 : index
    %swap3A_82 = vector.load %arg7[%swap3A_78, %swap3A_79, %swap3A_80, %swap3A_81] : memref<1x1x224x224xf32, #tpu.memory_space<vmem>>, vector<1x1x224x224xf32>
    tpu.vector_store %arg7[%swap3A_78, %swap3A_79, %swap3A_80, %swap3A_81], %select_n3A_77 {strides = array<i32>} : memref<1x1x224x224xf32, #tpu.memory_space<vmem>>, vector<1x1x224x224xf32>,
    %and3A_83 = arith.andi %and3A_31, %and3A_45 : vector<1x1x224x224xi1>
    %mul3A_84 = arith.mulf %sub3A, %sub3A_15 : vector<1x1x224x224xf32>
    %mul3A_85 = arith.mulf %mul3A_84, %exp3A : vector<1x1x224x224xf32>
    %select_n3A_86 = arith.select %and3A_83, %mul3A_85, %broadcast_in_dim3A_46 : vector<1x1x224x224xi1>, vector<1x1x224x224xf32>
    %swap3A_87 = arith.constant 0 : index
    %swap3A_88 = arith.constant 0 : index
    %swap3A_89 = arith.constant 0 : index
    %swap3A_90 = arith.constant 0 : index
    %swap3A_91 = vector.load %arg8[%swap3A_87, %swap3A_88, %swap3A_89, %swap3A_90] : memref<1x1x224x224xf32, #tpu.memory_space<vmem>>, vector<1x1x224x224xf32>
    tpu.vector_store %arg8[%swap3A_87, %swap3A_88, %swap3A_89, %swap3A_90], %select_n3A_86 {strides = array<i32>} : memref<1x1x224x224xf32, #tpu.memory_space<vmem>>, vector<1x1x224x224xf32>,
    %lt3A_92 = arith.constant -1 : i32
    %lt3A_93 = vector.broadcast %lt3A_92 : i32 to vector<1x1x224x224xi32>
    %lt3A_94 = arith.cmpi slt, %convert_element_type3A_13, %lt3A_93 : vector<1x1x224x224xi32>
    %ge3A_95 = arith.constant 224 : i32
    %ge3A_96 = vector.broadcast %ge3A_95 : i32 to vector<1x1x224x224xi32>
    %ge3A_97 = arith.cmpi sge, %convert_element_type3A_13, %ge3A_96 : vector<1x1x224x224xi32>
    %or3A = arith.ori %lt3A_94, %ge3A_97 : vector<1x1x224x224xi1>
    %lt3A_98 = arith.constant -1 : i32
    %lt3A_99 = vector.broadcast %lt3A_98 : i32 to vector<1x1x224x224xi32>
    %lt3A_100 = arith.cmpi slt, %convert_element_type3A_14, %lt3A_99 : vector<1x1x224x224xi32>
    %or3A_101 = arith.ori %or3A, %lt3A_100 : vector<1x1x224x224xi1>
    %ge3A_102 = arith.constant 224 : i32
    %ge3A_103 = vector.broadcast %ge3A_102 : i32 to vector<1x1x224x224xi32>
    %ge3A_104 = arith.cmpi sge, %convert_element_type3A_14, %ge3A_103 : vector<1x1x224x224xi32>
    %or3A_105 = arith.ori %or3A_101, %ge3A_104 : vector<1x1x224x224xi1>
    %mul3A_106 = arith.constant 224 : i32
    %mul3A_107 = vector.broadcast %mul3A_106 : i32 to vector<1x1x224x224xi32>
    %mul3A_108 = arith.muli %convert_element_type3A_14, %mul3A_107 : vector<1x1x224x224xi32>
    %add3A_109 = arith.addi %mul3A_108, %convert_element_type3A_13 : vector<1x1x224x224xi32>
    %add3A_110 = arith.constant 240 : i32
    %add3A_111 = vector.broadcast %add3A_110 : i32 to vector<1x1x224x224xi32>
    %add3A_112 = arith.addi %add3A_109, %add3A_111 : vector<1x1x224x224xi32>
    %jit3A = arith.constant 0 : i32
    %broadcast_in_dim3A_113 = vector.broadcast %jit3A : i32 to vector<1x1x224x224xi32>
    %select_n3A_114 = arith.select %or3A_105, %broadcast_in_dim3A_113, %add3A_112 : vector<1x1x224x224xi1>, vector<1x1x224x224xi32>
    %swap3A_115 = arith.constant 0 : index
    %swap3A_116 = arith.constant 0 : index
    %swap3A_117 = arith.constant 0 : index
    %swap3A_118 = arith.constant 0 : index
    %swap3A_119 = vector.load %arg4[%swap3A_115, %swap3A_116, %swap3A_117, %swap3A_118] : memref<1x1x224x224xi32, #tpu.memory_space<vmem>>, vector<1x1x224x224xi32>
    tpu.vector_store %arg4[%swap3A_115, %swap3A_116, %swap3A_117, %swap3A_118], %select_n3A_114 {strides = array<i32>} : memref<1x1x224x224xi32, #tpu.memory_space<vmem>>, vector<1x1x224x224xi32>,
    return
  }
  func.func @transform_0(%arg0: i32) -> (i32, i32, i32, i32) {
    %c0_i32 = arith.constant 0 : i32
    %c0_i32_0 = arith.constant 0 : i32
    %c0_i32_1 = arith.constant 0 : i32
    %c0_i32_2 = arith.constant 0 : i32
    return %arg0, %c0_i32, %c0_i32_0, %c0_i32_1 : i32, i32, i32, i32
  }
  func.func @transform_1(%arg0: i32) -> (i32, i32, i32, i32) {
    %c1_i32 = arith.constant 1 : i32
    %c0_i32 = arith.constant 0 : i32
    %c0_i32_0 = arith.constant 0 : i32
    %c0_i32_1 = arith.constant 0 : i32
    return %arg0, %c1_i32, %c0_i32, %c0_i32_0 : i32, i32, i32, i32
  }
  func.func @transform_2(%arg0: i32) -> (i32, i32, i32, i32) {
    %c0_i32 = arith.constant 0 : i32
    %c0_i32_0 = arith.constant 0 : i32
    %c0_i32_1 = arith.constant 0 : i32
    %c0_i32_2 = arith.constant 0 : i32
    return %arg0, %c0_i32, %c0_i32_0, %c0_i32_1 : i32, i32, i32, i32
  }
  func.func @transform_3(%arg0: i32) -> (i32, i32, i32, i32) {
    %c0_i32 = arith.constant 0 : i32
    %c0_i32_0 = arith.constant 0 : i32
    %c0_i32_1 = arith.constant 0 : i32
    %c0_i32_2 = arith.constant 0 : i32
    return %arg0, %c0_i32, %c0_i32_0, %c0_i32_1 : i32, i32, i32, i32
  }
  func.func @transform_4(%arg0: i32) -> (i32, i32, i32, i32) {
    %c0_i32 = arith.constant 0 : i32
    %c0_i32_0 = arith.constant 0 : i32
    %c0_i32_1 = arith.constant 0 : i32
    %c0_i32_2 = arith.constant 0 : i32
    return %arg0, %c0_i32, %c0_i32_0, %c0_i32_1 : i32, i32, i32, i32
  }
  func.func @transform_5(%arg0: i32) -> (i32, i32, i32, i32) {
    %c0_i32 = arith.constant 0 : i32
    %c0_i32_0 = arith.constant 0 : i32
    %c0_i32_1 = arith.constant 0 : i32
    %c0_i32_2 = arith.constant 0 : i32
    return %arg0, %c0_i32, %c0_i32_0, %c0_i32_1 : i32, i32, i32, i32
  }
  func.func @transform_6(%arg0: i32) -> (i32, i32, i32, i32) {
    %c0_i32 = arith.constant 0 : i32
    %c0_i32_0 = arith.constant 0 : i32
    %c0_i32_1 = arith.constant 0 : i32
    %c0_i32_2 = arith.constant 0 : i32
    return %arg0, %c0_i32, %c0_i32_0, %c0_i32_1 : i32, i32, i32, i32
  }
  func.func @transform_7(%arg0: i32) -> (i32, i32, i32, i32) {
    %c0_i32 = arith.constant 0 : i32
    %c0_i32_0 = arith.constant 0 : i32
    %c0_i32_1 = arith.constant 0 : i32
    %c0_i32_2 = arith.constant 0 : i32
    return %arg0, %c0_i32, %c0_i32_0, %c0_i32_1 : i32, i32, i32, i32
  }
}

module attributes {stable_mosaic.version = 14 : i64} {
  func.func @_norm_body(%arg0: i32, %arg1: i32, %arg2: memref<1x32x224x224xf32, #tpu.memory_space<vmem>>, %arg3: memref<1x1x224x224xf32, #tpu.memory_space<vmem>>, %arg4: memref<1x32x224x224xf32, #tpu.memory_space<vmem>>) attributes {dimension_semantics = [#tpu.dimension_semantics<arbitrary>, #tpu.dimension_semantics<arbitrary>], iteration_bounds = array<i64: 4, 3>, scalar_prefetch = 0 : i64, scratch_operands = 0 : i64, tpu.core_type = #tpu.core_type<tc>, window_params = [{transform_indices = @transform_0, window_bounds = array<i64: 1, 32, 224, 224>}, {transform_indices = @transform_1, window_bounds = array<i64: 1, 1, 224, 224>}, {transform_indices = @transform_2, window_bounds = array<i64: 1, 32, 224, 224>}]} {
    %get3A = arith.constant 0 : index
    %get3A_0 = arith.constant 0 : index
    %get3A_1 = arith.constant 0 : index
    %get3A_2 = arith.constant 0 : index
    %get3A_3 = vector.load %arg3[%get3A, %get3A_0, %get3A_1, %get3A_2] : memref<1x1x224x224xf32, #tpu.memory_space<vmem>>, vector<1x1x224x224xf32>
    %eq3A = arith.constant 0.000000e+00 : f32
    %eq3A_4 = vector.broadcast %eq3A : f32 to vector<1x1x224x224xf32>
    %eq3A_5 = arith.cmpf oeq, %get3A_3, %eq3A_4 : vector<1x1x224x224xf32>
    %jit3A = arith.constant 1.000000e+00 : f32
    %broadcast_in_dim3A = vector.broadcast %jit3A : f32 to vector<1x1x224x224xf32>
    %select_n3A = arith.select %eq3A_5, %broadcast_in_dim3A, %get3A_3 : vector<1x1x224x224xi1>, vector<1x1x224x224xf32>
    %get3A_6 = arith.constant 0 : index
    %get3A_7 = arith.constant 0 : index
    %get3A_8 = arith.constant 0 : index
    %get3A_9 = arith.constant 0 : index
    %get3A_10 = vector.load %arg2[%get3A_6, %get3A_7, %get3A_8, %get3A_9] : memref<1x32x224x224xf32, #tpu.memory_space<vmem>>, vector<1x32x224x224xf32>
    %div3A = vector.broadcast %select_n3A : vector<1x1x224x224xf32> to vector<1x32x224x224xf32>
    %div3A_11 = arith.divf %get3A_10, %div3A : vector<1x32x224x224xf32>
    %swap3A = arith.constant 0 : index
    %swap3A_12 = arith.constant 0 : index
    %swap3A_13 = arith.constant 0 : index
    %swap3A_14 = arith.constant 0 : index
    %swap3A_15 = vector.load %arg4[%swap3A, %swap3A_12, %swap3A_13, %swap3A_14] : memref<1x32x224x224xf32, #tpu.memory_space<vmem>>, vector<1x32x224x224xf32>
    tpu.vector_store %arg4[%swap3A, %swap3A_12, %swap3A_13, %swap3A_14], %div3A_11 {strides = array<i32>} : memref<1x32x224x224xf32, #tpu.memory_space<vmem>>, vector<1x32x224x224xf32>,
    return
  }
  func.func @transform_0(%arg0: i32, %arg1: i32) -> (i32, i32, i32, i32) {
    %c0_i32 = arith.constant 0 : i32
    %c0_i32_0 = arith.constant 0 : i32
    %c0_i32_1 = arith.constant 0 : i32
    return %arg0, %arg1, %c0_i32, %c0_i32_0 : i32, i32, i32, i32
  }
  func.func @transform_1(%arg0: i32, %arg1: i32) -> (i32, i32, i32, i32) {
    %c96_i32 = arith.constant 96 : i32
    %c0_i32 = arith.constant 0 : i32
    %c0_i32_0 = arith.constant 0 : i32
    %c0_i32_1 = arith.constant 0 : i32
    return %arg0, %c96_i32, %c0_i32, %c0_i32_0 : i32, i32, i32, i32
  }
  func.func @transform_2(%arg0: i32, %arg1: i32) -> (i32, i32, i32, i32) {
    %c0_i32 = arith.constant 0 : i32
    %c0_i32_0 = arith.constant 0 : i32
    %c0_i32_1 = arith.constant 0 : i32
    return %arg0, %arg1, %c0_i32, %c0_i32_0 : i32, i32, i32, i32
  }
}

</mosaic_0001>

<sc_bundles>
// kernel: kernel.5.cloned.1.call-start
scs
__scs_entry_jumppad:
0x0: {  	(pc) =	sbr.rel $0x88, $3  }
0x1: {  	(tag) =	ssettag $0x0;
	lr =	simm.s32 $0x1  }
0x2: {  	[smem:$0x3F9E] =	sst lr;
	_ =	strace $0xD0000000  }
0x3: {  	_ = 	snop  }
0x4: {  	_ = 	snop  }
0x5: {  	_ = 	snop  }
0x6: {  	_ = 	snop  }
0x7: {  	_ = 	snop  }
__scs_overlays_trampoline_lowered:
0x8: {  	[smem:$0x3FAD] =	sst s0  }
0x9: {  	[smem:$0x3FAE] =	sst s1  }
0xa: {  	[smem:$0x3FAF] =	sst s2  }
0xb: {  	[smem:$0x3FB0] =	sst s3  }
0xc: {  	[smem:$0x3FB1] =	sst s4  }
0xd: {  	[smem:$0x3FB2] =	sst s5  }
0xe: {  	[smem:$0x3FB3] =	sst s6  }
0xf: {  	[smem:$0x3FB4] =	sst s7  }
0x10: {  	[smem:$0x3FB5] =	sst s8  }
0x11: {  	[smem:$0x3FB6] =	sst s9;
	s0 =	simm.s32 @!p0 $0x0  }
0x12: {  	s1 =	sld [smem:$0x3F9C];
	s0 =	simm.s32 @p0 $0x1  }
0x13: {  	[smem:$0x3FB7] =	sst s0;
	s0 =	simm.s32 @!p1 $0x0  }
0x14: {  	s2 =	sld [smem:$0x3F9B];
	s0 =	simm.s32 @p1 $0x1  }
0x15: {  	[smem:$0x3FB8] =	sst s0;
	s0 =	simm.s32 @!p2 $0x0  }
0x16: {  	s3 =	sld [smem:$0x3FDB];
	s0 =	simm.s32 @p2 $0x1  }
0x17: {  	s4 =	simm.s32 $0x1BF5;
	[smem:$0x3FBA] =	sst s0  }
0x18: {  	s0 =	sld [smem:$0x3F9D];
	_ =	swait.ge [sflag:s4], $0x0  }
0x19: {  	s7 =	sld [smem:$0x3F9E]  }
0x1a: {  	s8 =	sadd.s32 $0xFFFFE003, lr  }
0x1b: {  	s9 =	sadd.s32 $0xFFFFFEF7, lr;
	s5 =	simm.s32 $0xFFFFFFFF;
	p2 =	slt.u32 s8, $0xFFFFF086  }
0x1c: {  	p1 =	slt.u32 s9, $0xF7A;
	s5 =	simm.s32 @!p2 $0x0  }
0x1d: {  	s5 =	simm.s32 @p1 $0x1;
	p0 =	seq.s32 s7, s2  }
0x1e: {  	s7 =	smul.u32 @!p0 $0xF7A, s2;
	p2 =	seq.s32 @!p0 s5, $0x0  }
0x1f: {  	s9 =	smul.u32 $0xF7A, s1;
	s8 =	simm.s32 @!p0 $0x1BF5;
	p2 =	por !p2, p0  }
0x20: {  	[sflag:s8] =	ssyncset.s32 @!p0 $0xFFFFF086;
	s6 =	sadd.s32 @!p0 s3, s7;
	s7 =	simm.s32 @!p0 $0x108  }
0x21: {  	s3 =	sadd.s32 s3, s9;
	s6 =	sadd.s32 @!p0 $0x88, s6;
	s7 =	simm.s32 @p2 $0x1082  }
0x22: {  	[simem:s7], [sflag:s8] =	dma.local @!p0 [hbm:s6], $0xF7A  }
0x23: {  	s9 =	sor.u32 $0xD0000000, s2;
	s6 =	simm.s32 $0x108;
	_ =	swait.ge @!p0 [sflag:s8], $0x0  }
0x24: {  	s3 =	sadd.s32 $0x88, s3;
	s6 =	simm.s32 @!p1 $0x1082;
	[sflag:s4] =	ssyncset.s32 $0xFFFFF086  }
0x25: {  	[simem:s6], [sflag:s4] =	dma.local [hbm:s3], $0xF7A  }
0x26: {  	[smem:$0x3F9E] =	sst s1;
	(tag) =	ssettag s2;
	_ =	strace s9  }
0x27: {  	s1 =	sld [smem:$0x3FAE]  }
0x28: {  	s2 =	sld [smem:$0x3FAF]  }
0x29: {  	s4 =	sld [smem:$0x3FB1]  }
0x2a: {  	p0 =	seq.s32 s5, $0x0;
	s5 =	sld [smem:$0x3FB2]  }
0x2b: {  	s6 =	sld [smem:$0x3FB3]  }
0x2c: {  	s7 =	sld [smem:$0x3FB4]  }
0x2d: {  	s3 =	simm.s32 $0x108;
	s8 =	sld [smem:$0x3FB5]  }
0x2e: {  	s3 =	simm.s32 @!p0 $0x1082;
	s9 =	sld [smem:$0x3FB6]  }
0x2f: {  	lr =	sadd.s32 s0, s3;
	s0 =	sld [smem:$0x3FAD]  }
0x30: {  	s3 =	sld [smem:$0x3FB0]  }
0x31: {  	[smem:$0x3FB9] =	sst s10  }
0x32: {  	s10 =	sld [smem:$0x3FB7];
	_ =	sdelay $0x3  }
0x33: {  	p0 =	seq.s32 s10, $0x1;
	s10 =	sld [smem:$0x3FB9];
	_ =	sdelay $0x3  }
0x34: {  	[smem:$0x3FB9] =	sst s10  }
0x35: {  	s10 =	sld [smem:$0x3FB8];
	_ =	sdelay $0x3  }
0x36: {  	p1 =	seq.s32 s10, $0x1;
	s10 =	sld [smem:$0x3FB9];
	_ =	sdelay $0x3  }
0x37: {  	[smem:$0x3FB9] =	sst s10  }
0x38: {  	s10 =	sld [smem:$0x3FBA]  }
0x39: {  	_ = 	snop;
	(pc) =	sbr.ind lr, $3  }
0x3a: {  	_ = 	snop  }
0x3b: {  	_ = 	snop  }
0x3c: {  	p2 =	seq.s32 s10, $0x1;
	s10 =	sld [smem:$0x3FB9]  }
0x3d: {  	_ =	shalt  }
0x3e: {  	_ =	shalt  }
0x3f: {  	_ =	shalt  }
0x40: {  	_ =	shalt  }
0x41: {  	_ =	shalt  }
0x42: {  	_ =	shalt  }
0x43: {  	_ =	shalt  }
0x44: {  	_ =	shalt  }
0x45: {  	_ =	shalt  }
0x46: {  	_ =	shalt  }
0x47: {  	_ =	shalt  }
0x48: {  	_ =	shalt  }
0x49: {  	_ =	shalt  }
0x4a: {  	_ =	shalt  }
0x4b: {  	_ =	shalt  }
0x4c: {  	_ =	shalt  }
0x4d: {  	_ =	shalt  }
0x4e: {  	_ =	shalt  }
0x4f: {  	_ =	shalt  }
0x50: {  	_ =	shalt  }
0x51: {  	_ =	shalt  }
0x52: {  	_ =	shalt  }
0x53: {  	_ =	shalt  }
0x54: {  	_ =	shalt  }
0x55: {  	_ =	shalt  }
0x56: {  	_ =	shalt  }
0x57: {  	_ =	shalt  }
0x58: {  	_ =	shalt  }
0x59: {  	_ =	shalt  }
0x5a: {  	_ =	shalt  }
0x5b: {  	_ =	shalt  }
0x5c: {  	_ =	shalt  }
0x5d: {  	_ =	shalt  }
0x5e: {  	_ =	shalt  }
0x5f: {  	_ =	shalt  }
0x60: {  	_ =	shalt  }
0x61: {  	_ =	shalt  }
0x62: {  	_ =	shalt  }
0x63: {  	_ =	shalt  }
0x64: {  	_ =	shalt  }
0x65: {  	_ =	shalt  }
0x66: {  	_ =	shalt  }
0x67: {  	_ =	shalt  }
0x68: {  	_ =	shalt  }
0x69: {  	_ =	shalt  }
0x6a: {  	_ =	shalt  }
0x6b: {  	_ =	shalt  }
0x6c: {  	_ =	shalt  }
0x6d: {  	_ =	shalt  }
0x6e: {  	_ =	shalt  }
0x6f: {  	_ =	shalt  }
0x70: {  	_ =	shalt  }
0x71: {  	_ =	shalt  }
0x72: {  	_ =	shalt  }
0x73: {  	_ =	shalt  }
0x74: {  	_ =	shalt  }
0x75: {  	_ =	shalt  }
0x76: {  	_ =	shalt  }
0x77: {  	_ =	shalt  }
0x78: {  	_ =	shalt  }
0x79: {  	_ =	shalt  }
0x7a: {  	_ =	shalt  }
0x7b: {  	_ =	shalt  }
0x7c: {  	_ =	shalt  }
0x7d: {  	_ =	shalt  }
0x7e: {  	_ =	shalt  }
0x7f: {  	_ =	shalt  }
0x80: {  	_ =	shalt  }
0x81: {  	_ =	shalt  }
0x82: {  	_ =	shalt  }
0x83: {  	_ =	shalt  }
0x84: {  	_ =	shalt  }
0x85: {  	_ =	shalt  }
0x86: {  	_ =	shalt  }
0x87: {  	_ =	shalt  }
.Lfunc_end0:
.L_simem_size_0:
called_computation_lowered:
.L_overlay_start_0:
0x88: {  	s2 =	sld [smem:$0x3FD9]  }
0x89: {  	s3 =	sld [smem:$0x3FFE];
	_ =	sdelay $0x1  }
0x8a: {  	s1 =	srdreg.scid  }
0x8b: {  	s0 =	sand.u32 $0x1, s1  }
0x8c: {  	s17 =	sshll.u32 s0, $0xA;
	s2 =	sadd.s32 s3, s2  }
0x8d: {  	s2 =	sadd.s32 s2, s17  }
0x8e: {  	[smem:$0x3FC5] =	sst s2  }
0x8f: {  	_ = 	snop  }
0x90: {  	s2 =	sld [smem:$0x3FD0];
	(tm) =	ssettm $0x1  }
0x91: {  	s18 =	sld [smem:$0x3FFB];
	_ =	sdelay $0x3  }
0x92: {  	_ =	strace s18  }
0x93: {  	s3 =	sld [smem:$0x3FFC];
	_ =	sdelay $0x3  }
0x94: {  	_ =	strace s3  }
0x95: {  	s3 =	sld [smem:$0x3FFD];
	_ =	sdelay $0x3  }
0x96: {  	_ =	strace s3  }
0x97: {  	_ =	strace $0x8FFFFFFF  }
0x98: {  	s19 =	sld [smem:$0x3FDB];
	_ =	sdelay $0x1  }
0x99: {  	s4 =	simm.s32 $_scs_section_size  }
0x9a: {  	s5 =	simm.s32 $_size__tile_overlayer_lowered;
	s6 =	simm.s32 $_tile_overlayer_lowered  }
0x9b: {  	s22 =	simm.s32 $0x1BFF;
	s21 =	sshll.u32 s6, $0x1;
	s3 =	sadd.s32 s4, s19  }
0x9c: {  	s7 =	simm.s32 $0x0;
	s20 =	sshll.u32 s5, $0x1;
	s5 =	sadd.s32 s21, s3  }
0x9d: {  	[timem:s7], [sflag:s22] =	dma.local [hbm:s5], s20  }
0x9e: {  	_ =	swait.ge [sflag:s22], s20  }
0x9f: {  	s4 =	ssub.s32 $0x0, s20;
	[sflag:s22] =	ssyncset.done $0x0  }
0xa0: {  	[sflag:s22] =	ssyncadd.s32 s4;
	_ =	sdelay $0x1  }
0xa1: {  	s23 =	simm.s32 $0x1B8B  }
0xa2: {  	_ =	swait.ge [sflag:s23], $0x1  }
0xa3: {  	[sflag:s23] =	ssyncset.done $0x0  }
0xa4: {  	s25 =	simm.s32 $0x1B8E;
	s24 =	sld [smem:$0x3FFE];
	[sflag:s23] =	ssyncadd.s32 $0xFFFFFFFF  }
0xa5: {  	s26 =	simm.s32 $execute0_lowered;
	[smem:$0x3FD2] =	sst s25  }
0xa6: {  	s5 =	sshll.u32 s26, $0x1;
	_ =	strace $0x80000046;
	[dreg:$0x1] =	wrdreg $0xFFFFFFFF  }
0xa7: {  	s28 =	simm.s32 $_size_execute0_lowered;
	s3 =	sadd.s32 s3, s5;
	[dreg:$0x0] =	wrdreg $0x0  }
0xa8: {  	s5 =	sshll.u32 s28, $0x1;
	[dreg:$0x2] =	wrdreg s3  }
0xa9: {  	[dreg:$0x3] =	wrdreg s5  }
0xaa: {  	[dreg:$0x4] =	wrdreg $0xC0  }
0xab: {  	_ =	task [dreg:s7], $0x5FFFF  }
0xac: {  	[dreg:$0x1] =	wrdreg $0xFFFFFFFF  }
0xad: {  	[dreg:$0x0] =	wrdreg $0x60  }
0xae: {  	[dreg:$0x2] =	wrdreg s24  }
0xaf: {  	[dreg:$0x3] =	wrdreg s2  }
0xb0: {  	[dreg:$0x4] =	wrdreg $0x9  }
0xb1: {  	_ =	task.clear_ibuf [dreg:s7], $0x5FFFF;
	_ =	strace $0x90000046  }
0xb2: {  	s29 =	simm.s32 $0x9;
	_ =	strace $0x80000048  }
0xb3: {  	_ =	swait.ge [sflag:s29], $0x1  }
0xb4: {  	[sflag:s29] =	ssyncadd.s32 $0xFFFFFFFF  }
0xb5: {  	_ =	strace $0x90000048  }
0xb6: {  	_ =	sfence  }
0xb7: {  	s30 =	sld [smem:$0x0];
	_ =	sdelay $0x2  }
0xb8: {  	s31 =	sshll.u32 s1, $0xD;
	s1 =	sshrl.u32 s1, $0x2  }
0xb9: {  	s3 =	sand.u32 $0x4000, s31;
	s1 =	sadd.s32 s1, s30  }
0xba: {  	s0 =	sor.u32 s3, s0;
	s1 =	sshll.u32 s1, $0x11  }
0xbb: {  	s0 =	sor.u32 s1, s0  }
0xbc: {  	s0 =	sadd.s32 $0x8F2B, s0  }
0xbd: {  	[sflag:s0] =	ssyncadd.remote.s32 $0x1  }
0xbe: {  	_ =	sfence.sel $0xFFFF  }
0xbf: {  	[dreg:$0x0] =	wrdreg $0xFFFFFFFF;
	(pc) =	sbr.abs _section_cstart, $3  }
0xc0: {  	[dreg:$0x1] =	wrdreg $0xFFFFFFFF  }
0xc1: {  	_ =	task.clear_ibuf [dreg:s7], $0x2FFFF;
	_ =	strace $0x9FFFFFFF  }
0xc2: {  	(tm) =	ssettm $0x7FFFFFFF  }
0xc3: {  	_ =	shalt  }
tec
execute0_lowered:
.L_overlay_start_1:
0x0: {  	(tag) =	ssettag $0x1  }
0x1: {  	s0 =	rddreg [dreg:$0x0];
	s2 =	simm.s32 $0x0;
	s1 =	srdreg.scid  }
0x2: {  	s7 =	stileid.u32;
	s14 =	simm.s32 $0x1;
	s20 =	simm.s32 $0x1CAC0  }
0x3: {  	s21 =	simm.s32 $0x1D1C0;
	s22 =	simm.s32 $0x1D8C0;
	s23 =	simm.s32 $0x1DFC0  }
0x4: {  	s24 =	simm.s32 $0x1E6C0;
	[smem:$0x7FF] =	sst s2;
	s3 =	sadd.s32 $0x1F400, s0  }
0x5: {  	s1 =	sand.u32 $0x1, s1;
	s5 =	sadd.s32 $0xA00, s0;
	s6 =	sadd.s32 $0x6C00, s0  }
0x6: {  	s8 =	sadd.s32 $0xCE00, s0;
	s9 =	sadd.s32 $0x13000, s0;
	_ =	strace $0x80000047  }
.Ltmp0:
0x7: {  	[dreg:$0x3] =	wrdreg s1;
	s1 =	ssub.s32 $0x2, s1;
	(pc) =	sbr.rel .LBB2_1-.Ltmp0, $4  }
0x8: {  	s10 =	sadd.s32 $0x19200, s0;
	s0 =	sadd.s32 $0x1F4E0, s0;
	s4 =	sshrl.u32 s1, $0x1  }
0x9: {  	[dreg:$0x5] =	wrdreg s0;
	s1 =	ssub.s32 s1, s4;
	s4 =	sshll.u32 s7, $0x1  }
0xa: {  	s25 =	simm.s32 $0xC5E0;
	s31 =	smax.u32 s1, $0x1;
	[dreg:$0x4] =	wrdreg s4  }
0xb: {  	v0 =	vimm.f32 $1.000000000e+00;
	v1 =	vimm.f32 $0.0e+00;
	s26 =	simm.s32 $0x2;
	s1 =	simm.s32 $0x0;
	[dreg:$0x6] =	wrdreg s31  }
.LBB2_26:
0xc: {  	s1 =	rddreg [dreg:$0x7]  }
0xd: {  	s0 =	rddreg [dreg:$0x6];
	s1 =	sadd.s32 $0x1, s1  }
0xe: {  	p0 =	sne.s32 s1, s0  }
.Ltmp1:
0xf: {  	_ = 	snop;
	(pc) =	sbr.rel @!p0 .LBB2_27-.Ltmp1, $1  }
0x10: {  	_ =	sdelay $0x3  }
.LBB2_1:
.Ltmp2:
0x11: {  	(pc) =	sbr.rel .LBB2_2-.Ltmp2, $2  }
0x12: {  	_ =	sdelay $0x2  }
0x13: {  	[dreg:$0x7] =	wrdreg s1;
	s30 =	simm.s32 $0x0  }
.LBB2_24:
0x14: {  	s0 =	smul.u32 $0x61, s31;
	_ =	sdelay $0x1  }
0x15: {  	s0 =	sadd.s32 s0, s7  }
0x16: {  	s0 =	smul.u32 $0xC400, s0;
	_ =	sdelay $0x1  }
0x17: {  	s4 =	rddreg [dreg:$0x1];
	s1 =	sshrl.u32 s0, $0x3;
	s0 =	sadd.s32 @!p0 $0xC400, s0  }
0x18: {  	s31 =	simm.s32 $0xF0;
	s1 =	sadd.s32 s4, s1;
	s0 =	sshrl.u32 @!p0 s0, $0x3  }
0x19: {  	[hbm4b:s1+s2] =	stream.linear.scatter [tilespmem:s31], [sflag:$0x1], $0xC400, $0x38;
	[tilespmem:$0x1EDC0] =	vst v63  }
0x1a: {  	s0 =	sadd.s32 @!p0 s4, s0;
	s1 =	simm.s32 @!p0 $0x0;
	s4 =	simm.s32 @!p0 $0xC6D0  }
0x1b: {  	[hbm4b:s0+s1] =	stream.linear.scatter @!p0 [tilespmem:s4], [sflag:$0x2], $0xC400, $0x38;
	[tilespmem:$0x1EDC0] =	vst v63  }
0x1c: {  	s0 =	simm.s32 @!p0 $0x1  }
0x1d: {  	_ =	swait.ge @!p0 [sflag:s0], $0xC400  }
0x1e: {  	s1 =	simm.s32 @!p0 $0x2;
	[sflag:s0] =	ssyncset.done @!p0 $0x0  }
0x1f: {  	s1 =	simm.s32 @p0 $0x1;
	[sflag:s0] =	ssyncadd.s32 @!p0 $0xFFFF3C00  }
0x20: {  	_ =	swait.ge [sflag:s1], $0xC400  }
0x21: {  	[sflag:s1] =	ssyncset.done $0x0  }
0x22: {  	v0 =	vimm.f32 $1.000000000e+00;
	v1 =	vimm.f32 $0.0e+00;
	s4 =	rddreg [dreg:$0x4];
	[sflag:s1] =	ssyncadd.s32 $0xFFFF3C00  }
.LBB2_25:
0x23: {  	s30 =	sadd.s32 $0x1, s30  }
0x24: {  	p0 =	sne.s32 s30, $0x7  }
.Ltmp3:
0x25: {  	_ = 	snop;
	(pc) =	sbr.rel @!p0 .LBB2_26-.Ltmp3, $1  }
0x26: {  	_ =	sdelay $0x3  }
.LBB2_2:
0x27: {  	s0 =	sshll.u32 s30, $0x5  }
0x28: {  	s0 =	sor.u32 s4, s0  }
0x29: {  	p0 =	sgt.u32 s0, $0xC3  }
.Ltmp4:
0x2a: {  	_ = 	snop;
	(pc) =	sbr.rel @p0 .LBB2_25-.Ltmp4, $1  }
0x2b: {  	_ =	sdelay $0x3  }
0x2c: {  	s1 =	rddreg [dreg:$0x3]  }
0x2d: {  	s1 =	sor.u32 s1, s0  }
0x2e: {  	s4 =	simm.s32 $0x1;
	p0 =	sgt.u32 s1, $0x30  }
0x2f: {  	s4 =	simm.s32 @!p0 $0x0;
	p0 =	sgt.u32 s0, $0x61;
	s0 =	simm.s32 $0x1  }
0x30: {  	s7 =	simm.s32 $0x1;
	s0 =	simm.s32 @!p0 $0x0;
	p0 =	sgt.u32 s1, $0x92  }
0x31: {  	s0 =	sadd.s32 s0, s4;
	s7 =	simm.s32 @!p0 $0x0  }
0x32: {  	s31 =	sadd.s32 s7, s0  }
0x33: {  	s0 =	smul.u32 $0xFFFFFFCF, s31;
	_ =	sdelay $0x1  }
0x34: {  	s0 =	sadd.s32 s1, s0  }
0x35: {  	p0 =	seq.s32 s0, $0x30  }
0x36: {  	s1 =	smul.u32 @!p0 $0x60, s31  }
0x37: {  	s7 =	sshll.u32 s0, $0x1  }
0x38: {  	s1 =	sadd.s32 @!p0 s1, s7  }
0x39: {  	s1 =	smul.u32 @!p0 $0xC400, s1;
	_ =	sdelay $0x1  }
0x3a: {  	s4 =	sshrl.u32 @!p0 s1, $0x3  }
0x3b: {  	s12 =	simm.s32 @!p0 $0x0;
	s13 =	simm.s32 @!p0 $0x18BC0;
	s11 =	sadd.s32 @!p0 s3, s4  }
0x3c: {  	[tilespmem:s13], [sflag:$0x1] =	stream.linear.gather @!p0 [hbm4b:s11+s12], $0x700, $0x38;
	[tilespmem:$0x1EDC0] =	vst v63  }
0x3d: {  	s11 =	sadd.s32 @!p0 $0xC400, s1  }
0x3e: {  	s11 =	sshrl.u32 @!p0 s11, $0x3  }
0x3f: {  	s15 =	simm.s32 @!p0 $0x192C0;
	s13 =	smul.u32 $0xC400, s31;
	s11 =	sadd.s32 @!p0 s3, s11  }
0x40: {  	[tilespmem:s15], [sflag:$0x1] =	stream.linear.gather @!p0 [hbm4b:s11+s12], $0x700, $0x38;
	[tilespmem:$0x1EDC0] =	vst v63  }
0x41: {  	s11 =	sshrl.u32 s13, $0x3  }
0x42: {  	s16 =	simm.s32 $0x199C0;
	s19 =	sadd.s32 s5, s11  }
0x43: {  	[tilespmem:s16], [sflag:$0x1] =	stream.linear.gather [hbm4b:s19+s2], $0x700, $0x38;
	[tilespmem:$0x1EDC0] =	vst v63  }
0x44: {  	s29 =	simm.s32 $0x1A0C0;
	s28 =	sadd.s32 s6, s11  }
0x45: {  	[tilespmem:s29], [sflag:$0x1] =	stream.linear.gather [hbm4b:s28+s2], $0x700, $0x38;
	[tilespmem:$0x1EDC0] =	vst v63  }
0x46: {  	s17 =	simm.s32 $0x1A7C0;
	s16 =	sadd.s32 s8, s11  }
0x47: {  	[tilespmem:s17], [sflag:$0x1] =	stream.linear.gather [hbm4b:s16+s2], $0x700, $0x38;
	[tilespmem:$0x1EDC0] =	vst v63  }
0x48: {  	s1 =	sadd.s32 @!p0 $0xCB00, s1;
	s18 =	sadd.s32 s9, s11;
	s19 =	simm.s32 $0x1AEC0  }
0x49: {  	[tilespmem:s19], [sflag:$0x1] =	stream.linear.gather [hbm4b:s18+s2], $0x700, $0x38;
	[tilespmem:$0x1EDC0] =	vst v63  }
0x4a: {  	s15 =	rddreg [dreg:$0x5];
	s28 =	sadd.s32 s10, s11;
	s29 =	simm.s32 $0x1B5C0  }
0x4b: {  	[tilespmem:s29], [sflag:$0x1] =	stream.linear.gather [hbm4b:s28+s2], $0x700, $0x38;
	[tilespmem:$0x1EDC0] =	vst v63  }
0x4c: {  	s1 =	sshrl.u32 @!p0 s1, $0x3;
	s4 =	sadd.s32 @!p0 s4, s15;
	s15 =	simm.s32 @!p0 $0x1BCC0  }
0x4d: {  	[tilespmem:s15], [sflag:$0x2] =	stream.linear.gather @!p0 [hbm4b:s4+s12], $0x700, $0x38;
	[tilespmem:$0x1EDC0] =	vst v63  }
0x4e: {  	s1 =	sadd.s32 @!p0 s3, s1;
	s17 =	sadd.s32 $0xE0, s11;
	s4 =	simm.s32 @!p0 $0x1C3C0  }
0x4f: {  	[tilespmem:s4], [sflag:$0x2] =	stream.linear.gather @!p0 [hbm4b:s1+s12], $0x700, $0x38;
	[tilespmem:$0x1EDC0] =	vst v63  }
0x50: {  	s18 =	sadd.s32 s5, s17  }
0x51: {  	[tilespmem:s20], [sflag:$0x2] =	stream.linear.gather [hbm4b:s18+s2], $0x700, $0x38;
	[tilespmem:$0x1EDC0] =	vst v63  }
0x52: {  	s19 =	sadd.s32 s6, s17  }
0x53: {  	[tilespmem:s21], [sflag:$0x2] =	stream.linear.gather [hbm4b:s19+s2], $0x700, $0x38;
	[tilespmem:$0x1EDC0] =	vst v63  }
0x54: {  	p1 =	sne.s32 s0, $0x30;
	s28 =	sadd.s32 s8, s17  }
0x55: {  	[tilespmem:s22], [sflag:$0x2] =	stream.linear.gather [hbm4b:s28+s2], $0x700, $0x38;
	[tilespmem:$0x1EDC0] =	vst v63  }
.Ltmp5:
0x56: {  	s29 =	sadd.s32 s9, s17;
	(pc) =	sbr.rel @p1 .LBB2_13-.Ltmp5, $4  }
0x57: {  	[tilespmem:s23], [sflag:$0x2] =	stream.linear.gather [hbm4b:s29+s2], $0x700, $0x38;
	[tilespmem:$0x1EDC0] =	vst v63  }
0x58: {  	s1 =	sadd.s32 s10, s17  }
0x59: {  	[tilespmem:s24], [sflag:$0x2] =	stream.linear.gather [hbm4b:s1+s2], $0x700, $0x38;
	[tilespmem:$0x1EDC0] =	vst v63  }
0x5a: {  	s4 =	simm.s32 $0xFFFFFFF8;
	s1 =	simm.s32 $0x18C00  }
0x5b: {  	[tilespmem:s1+$0xFFFFFFC0] =	vst v0  }
0x5c: {  	[tilespmem:s1+$0x30] =	vst v0  }
0x5d: {  	[tilespmem:s1+$0x20] =	vst v0  }
0x5e: {  	[tilespmem:s1+$0x10] =	vst v0  }
0x5f: {  	[tilespmem:s1+$0x0] =	vst v0  }
0x60: {  	[tilespmem:s1+$0xFFFFFFF0] =	vst v0  }
0x61: {  	s11 =	sadd.s32 $0x8, s4;
	[tilespmem:s1+$0xFFFFFFE0] =	vst v0  }
.LBB2_5:
0x62: {  	s11 =	sadd.s32 $0x8, s11;
	[tilespmem:s1+$0xFFFFFFD0] =	vst v0;
	s1 =	sadd.s32 $0x80, s1;
	s4 =	simm.s32 $0x19300  }
0x63: {  	[tilespmem:s1+$0xFFFFFFC0] =	vst v0;
	p1 =	slt.u32 s11, $0x68  }
0x64: {  	[tilespmem:s1+$0x30] =	vst v0  }
.Ltmp6:
0x65: {  	[tilespmem:s1+$0x20] =	vst v0;
	(pc) =	sbr.rel @p1 .LBB2_5-.Ltmp6, $4  }
0x66: {  	[tilespmem:s1+$0x10] =	vst v0  }
0x67: {  	[tilespmem:s1+$0x0] =	vst v0  }
0x68: {  	[tilespmem:s1+$0xFFFFFFF0] =	vst v0  }
0x69: {  	[tilespmem:s1+$0xFFFFFFE0] =	vst v0  }
0x6a: {  	[tilespmem:s1+$0xFFFFFFD0] =	vst v0  }
0x6b: {  	[tilespmem:s4+$0xFFFFFFC0] =	vst v0  }
0x6c: {  	[tilespmem:s4+$0x30] =	vst v0  }
0x6d: {  	[tilespmem:s4+$0x20] =	vst v0  }
0x6e: {  	[tilespmem:s4+$0x10] =	vst v0  }
0x6f: {  	[tilespmem:s4+$0x0] =	vst v0  }
0x70: {  	[tilespmem:s4+$0xFFFFFFF0] =	vst v0  }
0x71: {  	s11 =	simm.s32 $0x0;
	s1 =	simm.s32 $0x1BD00;
	[tilespmem:s4+$0xFFFFFFE0] =	vst v0  }
.LBB2_7:
0x72: {  	s11 =	sadd.s32 $0x8, s11;
	[tilespmem:s4+$0xFFFFFFD0] =	vst v0;
	s4 =	sadd.s32 $0x80, s4  }
0x73: {  	[tilespmem:s4+$0xFFFFFFC0] =	vst v0;
	p1 =	slt.u32 s11, $0x68  }
0x74: {  	[tilespmem:s4+$0x30] =	vst v0  }
.Ltmp7:
0x75: {  	[tilespmem:s4+$0x20] =	vst v0;
	(pc) =	sbr.rel @p1 .LBB2_7-.Ltmp7, $4  }
0x76: {  	[tilespmem:s4+$0x10] =	vst v0  }
0x77: {  	[tilespmem:s4+$0x0] =	vst v0  }
0x78: {  	[tilespmem:s4+$0xFFFFFFF0] =	vst v0  }
0x79: {  	[tilespmem:s4+$0xFFFFFFE0] =	vst v0  }
0x7a: {  	[tilespmem:s4+$0xFFFFFFD0] =	vst v0  }
0x7b: {  	[tilespmem:s1+$0xFFFFFFC0] =	vst v0  }
0x7c: {  	[tilespmem:s1+$0x30] =	vst v0  }
0x7d: {  	[tilespmem:s1+$0x20] =	vst v0  }
0x7e: {  	[tilespmem:s1+$0x10] =	vst v0  }
0x7f: {  	[tilespmem:s1+$0x0] =	vst v0  }
0x80: {  	[tilespmem:s1+$0xFFFFFFF0] =	vst v0  }
0x81: {  	s11 =	simm.s32 $0x0;
	[tilespmem:s1+$0xFFFFFFE0] =	vst v0  }
.LBB2_9:
0x82: {  	s11 =	sadd.s32 $0x8, s11;
	[tilespmem:s1+$0xFFFFFFD0] =	vst v0;
	s1 =	sadd.s32 $0x80, s1;
	s4 =	simm.s32 $0x1C400  }
0x83: {  	[tilespmem:s1+$0xFFFFFFC0] =	vst v0;
	p1 =	slt.u32 s11, $0x68  }
0x84: {  	[tilespmem:s1+$0x30] =	vst v0  }
.Ltmp8:
0x85: {  	[tilespmem:s1+$0x20] =	vst v0;
	(pc) =	sbr.rel @p1 .LBB2_9-.Ltmp8, $4  }
0x86: {  	[tilespmem:s1+$0x10] =	vst v0  }
0x87: {  	[tilespmem:s1+$0x0] =	vst v0  }
0x88: {  	[tilespmem:s1+$0xFFFFFFF0] =	vst v0  }
0x89: {  	[tilespmem:s1+$0xFFFFFFE0] =	vst v0  }
0x8a: {  	[tilespmem:s1+$0xFFFFFFD0] =	vst v0  }
0x8b: {  	[tilespmem:s4+$0xFFFFFFC0] =	vst v0  }
0x8c: {  	[tilespmem:s4+$0x30] =	vst v0  }
0x8d: {  	[tilespmem:s4+$0x20] =	vst v0  }
0x8e: {  	[tilespmem:s4+$0x10] =	vst v0  }
0x8f: {  	[tilespmem:s4+$0x0] =	vst v0  }
0x90: {  	[tilespmem:s4+$0xFFFFFFF0] =	vst v0  }
0x91: {  	s1 =	simm.s32 $0x0;
	[tilespmem:s4+$0xFFFFFFE0] =	vst v0  }
.LBB2_11:
0x92: {  	s1 =	sadd.s32 $0x8, s1;
	[tilespmem:s4+$0xFFFFFFD0] =	vst v0;
	s4 =	sadd.s32 $0x80, s4  }
0x93: {  	[tilespmem:s4+$0xFFFFFFC0] =	vst v0;
	p1 =	slt.u32 s1, $0x68  }
0x94: {  	[tilespmem:s4+$0x30] =	vst v0  }
.Ltmp9:
0x95: {  	[tilespmem:s4+$0x20] =	vst v0;
	(pc) =	sbr.rel @p1 .LBB2_11-.Ltmp9, $4  }
0x96: {  	[tilespmem:s4+$0x10] =	vst v0  }
0x97: {  	[tilespmem:s4+$0x0] =	vst v0  }
0x98: {  	[tilespmem:s4+$0xFFFFFFF0] =	vst v0  }
0x99: {  	[tilespmem:s4+$0xFFFFFFE0] =	vst v0  }
0x9a: {  	[tilespmem:s4+$0xFFFFFFD0] =	vst v0  }
.LBB2_13:
0x9b: {  	s1 =	simm.s32 $0x40  }
0x9c: {  	[tilespmem:s1+$0x30] =	vst v1  }
0x9d: {  	[tilespmem:s1+$0xFFFFFFF0] =	vst v1  }
0x9e: {  	[tilespmem:s1+$0xFFFFFFC0] =	vst v1  }
0x9f: {  	[tilespmem:s1+$0xFFFFFFE0] =	vst v1  }
0xa0: {  	[tilespmem:s1+$0x10] =	vst v1  }
0xa1: {  	[tilespmem:s1+$0x20] =	vst v1  }
0xa2: {  	[tilespmem:s1+$0x0] =	vst v1  }
0xa3: {  	s4 =	simm.s32 $0xC620;
	[tilespmem:s1+$0xFFFFFFD0] =	vst v1  }
0xa4: {  	[tilespmem:s4+$0xFFFFFFC0] =	vst v1  }
0xa5: {  	[tilespmem:s4+$0x30] =	vst v1  }
0xa6: {  	[tilespmem:s4+$0x20] =	vst v1  }
0xa7: {  	[tilespmem:s4+$0x10] =	vst v1  }
0xa8: {  	[tilespmem:s4+$0xFFFFFFE0] =	vst v1  }
0xa9: {  	[tilespmem:s4+$0x0] =	vst v1  }
0xaa: {  	s11 =	simm.s32 $0x0;
	[tilespmem:s4+$0xFFFFFFF0] =	vst v1  }
.LBB2_14:
0xab: {  	s11 =	sadd.s32 $0x8, s11;
	[tilespmem:s4+$0xFFFFFFD0] =	vst v1;
	s1 =	sadd.s32 $0x80, s1;
	s4 =	sadd.s32 $0x80, s4  }
0xac: {  	[tilespmem:s1+$0x30] =	vst v1;
	p1 =	slt.u32 s11, $0xC50  }
0xad: {  	[tilespmem:s1+$0xFFFFFFF0] =	vst v1  }
0xae: {  	[tilespmem:s1+$0xFFFFFFC0] =	vst v1  }
0xaf: {  	[tilespmem:s4+$0xFFFFFFC0] =	vst v1  }
0xb0: {  	[tilespmem:s4+$0x30] =	vst v1  }
0xb1: {  	[tilespmem:s1+$0xFFFFFFE0] =	vst v1  }
0xb2: {  	[tilespmem:s1+$0x10] =	vst v1  }
0xb3: {  	[tilespmem:s1+$0x20] =	vst v1  }
0xb4: {  	[tilespmem:s4+$0x20] =	vst v1  }
0xb5: {  	[tilespmem:s4+$0x10] =	vst v1  }
.Ltmp10:
0xb6: {  	[tilespmem:s4+$0xFFFFFFE0] =	vst v1;
	(pc) =	sbr.rel @p1 .LBB2_14-.Ltmp10, $4  }
0xb7: {  	[tilespmem:s1+$0x0] =	vst v1  }
0xb8: {  	[tilespmem:s4+$0x0] =	vst v1  }
0xb9: {  	[tilespmem:s4+$0xFFFFFFF0] =	vst v1  }
0xba: {  	s12 =	simm.s32 $0x0;
	[tilespmem:s1+$0xFFFFFFD0] =	vst v1  }
0xbb: {  	[tilespmem:s4+$0xFFFFFFD0] =	vst v1  }
.LBB2_16:
0xbc: {  	p1 =	seq.s32 s12, $0x140  }
.Ltmp11:
0xbd: {  	_ = 	snop;
	(pc) =	sbr.rel @!p1 .LBB2_16-.Ltmp11, $4  }
0xbe: {  	_ = 	snop  }
0xbf: {  	s1 =	sshra.s32 s12, $0x2  }
0xc0: {  	[tilespmem:s1+$0xC580] =	vst v1  }
0xc1: {  	s12 =	sadd.s32 $0x40, s12;
	[tilespmem:s1+$0x18B60] =	vst v1  }
0xc2: {  	s1 =	smul.u32 $0x60, s31;
	_ =	sdelay $0x1  }
0xc3: {  	s1 =	sadd.s32 s1, s7  }
0xc4: {  	s29 =	smul.u32 $0xC400, s1;
	_ =	sdelay $0x1  }
0xc5: {  	s16 =	simm.s32 $0x0;
	s15 =	sadd.s32 $0xC400, s29  }
.LBB2_18:
0xc6: {  	s1 =	simm.s32 @!p0 $0x1  }
0xc7: {  	_ =	swait.ge @!p0 [sflag:s1], $0x700  }
0xc8: {  	[sflag:s1] =	ssyncset.done @!p0 $0x0  }
0xc9: {  	[sflag:s1] =	ssyncadd.s32 @!p0 $0xFFFFF900  }
0xca: {  	_ =	swait.ge @!p0 [sflag:s1], $0x700  }
0xcb: {  	[sflag:s1] =	ssyncset.done @!p0 $0x0  }
0xcc: {  	[sflag:s1] =	ssyncadd.s32 @!p0 $0xFFFFF900  }
0xcd: {  	_ =	swait.ge [sflag:s14], $0x700  }
0xce: {  	[sflag:s14] =	ssyncset.done $0x0  }
0xcf: {  	[sflag:s14] =	ssyncadd.s32 $0xFFFFF900  }
0xd0: {  	_ =	swait.ge [sflag:s14], $0x700  }
0xd1: {  	[sflag:s14] =	ssyncset.done $0x0  }
0xd2: {  	[sflag:s14] =	ssyncadd.s32 $0xFFFFF900  }
0xd3: {  	_ =	swait.ge [sflag:s14], $0x700  }
0xd4: {  	[sflag:s14] =	ssyncset.done $0x0  }
0xd5: {  	[sflag:s14] =	ssyncadd.s32 $0xFFFFF900  }
0xd6: {  	_ =	swait.ge [sflag:s14], $0x700  }
0xd7: {  	[sflag:s14] =	ssyncset.done $0x0  }
0xd8: {  	[sflag:s14] =	ssyncadd.s32 $0xFFFFF900  }
0xd9: {  	_ =	swait.ge [sflag:s14], $0x700  }
0xda: {  	[sflag:s14] =	ssyncset.done $0x0  }
0xdb: {  	s11 =	simm.s32 $0x1B600;
	[sflag:s14] =	ssyncadd.s32 $0xFFFFF900  }
0xdc: {  	s12 =	simm.s32 $0x1AF00;
	v2 =	vld [tilespmem:s11+$0xFFFFFFC0]  }
0xdd: {  	s1 =	simm.s32 $0x1A800;
	v5 =	vld [tilespmem:s12+$0xFFFFFFC0]  }
0xde: {  	s17 =	simm.s32 $0x19300;
	v6 =	vld [tilespmem:s1+$0xFFFFFFC0]  }
0xdf: {  	s18 =	simm.s32 $0x18C00;
	v7 =	vld [tilespmem:s17+$0xFFFFFFC0]  }
0xe0: {  	s4 =	simm.s32 $0x1A100;
	v9 =	vld [tilespmem:s18+$0xFFFFFFC0]  }
0xe1: {  	v10 =	vld [tilespmem:s4+$0xFFFFFFC0]  }
0xe2: {  	v14 =	vld [tilespmem:s11+$0xFFFFFFD0]  }
0xe3: {  	v13 =	vld [tilespmem:s12+$0xFFFFFFD0]  }
0xe4: {  	v16 =	vld [tilespmem:s1+$0xFFFFFFD0]  }
0xe5: {  	v23 =	vld [tilespmem:s11+$0xFFFFFFF0]  }
0xe6: {  	v25 =	vld [tilespmem:s12+$0xFFFFFFF0]  }
0xe7: {  	v19 =	vld [tilespmem:s17+$0xFFFFFFD0]  }
0xe8: {  	v24 =	vld [tilespmem:s4+$0xFFFFFFD0]  }
0xe9: {  	v26 =	vld [tilespmem:s18+$0xFFFFFFD0]  }
0xea: {  	v28 =	vld [tilespmem:s1+$0xFFFFFFF0]  }
0xeb: {  	v39 =	vld [tilespmem:s11+$0xFFFFFFE0]  }
0xec: {  	v32 =	vld [tilespmem:s12+$0xFFFFFFE0]  }
0xed: {  	v35 =	vld [tilespmem:s1+$0xFFFFFFE0]  }
0xee: {  	v31 =	vld [tilespmem:s17+$0xFFFFFFF0]  }
0xef: {  	v41 =	vld [tilespmem:s4+$0xFFFFFFF0]  }
0xf0: {  	v42 =	vld [tilespmem:s18+$0xFFFFFFF0]  }
0xf1: {  	v43 =	vld [tilespmem:s17+$0xFFFFFFE0]  }
0xf2: {  	v8 =	vld [tilespmem:s11+$0x0]  }
0xf3: {  	v11 =	vld [tilespmem:s12+$0x0]  }
0xf4: {  	v44 =	vld [tilespmem:s4+$0xFFFFFFE0]  }
0xf5: {  	v45 =	vld [tilespmem:s18+$0xFFFFFFE0]  }
0xf6: {  	v46 =	vld [tilespmem:s18+$0x20]  }
0xf7: {  	v38 =	vld [tilespmem:s4+$0x20]  }
0xf8: {  	v47 =	vld [tilespmem:s18+$0x10]  }
0xf9: {  	v48 =	vld [tilespmem:s4+$0x10]  }
0xfa: {  	v49 =	vld [tilespmem:s12+$0x10]  }
0xfb: {  	v50 =	vld [tilespmem:s1+$0x10]  }
0xfc: {  	v51 =	vld [tilespmem:s17+$0x10]  }
0xfd: {  	v52 =	vld [tilespmem:s17+$0x20]  }
0xfe: {  	v15 =	vld [tilespmem:s11+$0x30]  }
0xff: {  	v12 =	vld [tilespmem:s12+$0x30]  }
0x100: {  	v3 =	vld [tilespmem:s1+$0x30]  }
0x101: {  	v17 =	vld [tilespmem:s17+$0x30]  }
0x102: {  	s19 =	simm.s32 $0x19A00;
	v4 =	vld [tilespmem:s4+$0x30]  }
0x103: {  	v27 =	vld [tilespmem:s19+$0x30]  }
0x104: {  	v18 =	vld [tilespmem:s18+$0x30]  }
0x105: {  	v22 =	vld [tilespmem:s19+$0xFFFFFFC0]  }
0x106: {  	v20 =	vld [tilespmem:s19+$0xFFFFFFD0]  }
0x107: {  	v53 =	vld [tilespmem:s11+$0x10]  }
0x108: {  	v21 =	vld [tilespmem:s19+$0xFFFFFFE0]  }
0x109: {  	v55 =	vld [tilespmem:s11+$0x20];
	v29 =	vadd.s32 $0x1, v27;
	v30 =	vmul.f32 v4, v18  }
0x10a: {  	v54 =	vld [tilespmem:s12+$0x20];
	v4 =	vmul.f32 v4, v17  }
0x10b: {  	v0 =	vmul.f32 v6, v7;
	[tilespmem:v27+s2+$0x0] =	vst.idx.add.f32.msk $0xffff, v30  }
0x10c: {  	v33 =	vadd.s32 $0xE0, v27;
	v34 =	vmul.f32 v3, v18;
	[tilespmem:v27+s25+$0x0] =	vst.idx.add.f32.msk $0xffff, v4  }
0x10d: {  	v56 =	vld [tilespmem:s1+$0x20];
	v60 =	vmul.f32 v5, v7;
	v61 =	vmul.f32 v12, v17;
	[tilespmem:$0x1FFC0] =	vst v0  }
0x10e: {  	v62 =	vmul.f32 v5, v9;
	v30 =	vmul.f32 v3, v17;
	[tilespmem:v29+s2+$0x0] =	vst.idx.add.f32.msk $0xffff, v34  }
0x10f: {  	v36 =	vadd.s32 $0xE1, v27;
	v63 =	vmul.f32 v2, v7;
	v27 =	vmul.f32 v12, v18;
	[tilespmem:$0x1FFD0] =	vst v60  }
0x110: {  	v12 =	vmul.f32 v6, v9;
	v6 =	vmul.f32 v15, v18;
	[tilespmem:v29+s25+$0x0] =	vst.idx.add.f32.msk $0xffff, v30  }
0x111: {  	v15 =	vmul.f32 v15, v17;
	v18 =	vmul.f32 v10, v9;
	[tilespmem:v33+s2+$0x0] =	vst.idx.add.f32.msk $0xffff, v27  }
0x112: {  	v17 =	vmul.f32 v10, v7;
	v10 =	vmul.f32 v13, v19;
	[tilespmem:$0x1FFE0] =	vst v62  }
0x113: {  	v7 =	vmul.f32 v14, v19;
	v29 =	vmul.f32 v24, v26;
	[tilespmem:v33+s25+$0x0] =	vst.idx.add.f32.msk $0xffff, v61  }
0x114: {  	v30 =	vmul.f32 v28, v31;
	v27 =	vmul.f32 v24, v19;
	[tilespmem:v36+s2+$0x0] =	vst.idx.add.f32.msk $0xffff, v6  }
0x115: {  	v24 =	vmul.f32 v25, v31;
	v33 =	vmul.f32 v41, v31;
	[tilespmem:$0x1FFF0] =	vst v63  }
0x116: {  	v6 =	vmul.f32 v2, v9;
	v9 =	vmul.f32 v14, v26;
	[tilespmem:v36+s25+$0x0] =	vst.idx.add.f32.msk $0xffff, v15  }
0x117: {  	v14 =	vmul.f32 v23, v31;
	v31 =	vmul.f32 v25, v42;
	v57 =	vld [tilespmem:s19+$0x20]  }
0x118: {  	v25 =	vmul.f32 v38, v52;
	v15 =	vmul.f32 v16, v19;
	v58 =	vld [tilespmem:s19+$0x10]  }
0x119: {  	v19 =	vmul.f32 v16, v26;
	v16 =	vmul.f32 v38, v46;
	v38 =	vld [tilespmem:s19+$0xFFFFFFF0]  }
0x11a: {  	v59 =	vld [tilespmem:s1+$0x0]  }
0x11b: {  	v60 =	vld [tilespmem:s4+$0x0]  }
0x11c: {  	v40 =	vld [tilespmem:s19+$0x0]  }
0x11d: {  	v37 =	vld [tilespmem:s18+$0x0]  }
0x11e: {  	v62 =	vmul.f32 v48, v47;
	v36 =	vld [tilespmem:s17+$0x0]  }
0x11f: {  	v1 =	vmul.f32 v53, v47;
	v63 =	vmul.f32 v41, v42;
	[tilespmem:v57+s2+$0x0] =	vst.idx.add.f32.msk $0xffff, v16  }
0x120: {  	v3 =	vmul.f32 v50, v51;
	v13 =	vmul.f32 v13, v26;
	v61 =	vadd.s32 $0x1, v58;
	[tilespmem:v58+s2+$0x0] =	vst.idx.add.f32.msk $0xffff, v62  }
0x121: {  	v0 =	vmul.f32 v49, v51;
	v16 =	vmul.f32 v48, v51;
	[tilespmem:v38+s2+$0x0] =	vst.idx.add.f32.msk $0xffff, v63  }
0x122: {  	v34 =	vmul.f32 v28, v42;
	v62 =	vmul.f32 v60, v37;
	[tilespmem:v57+s25+$0x0] =	vst.idx.add.f32.msk $0xffff, v25  }
0x123: {  	v28 =	vmul.f32 v35, v43;
	v25 =	vmul.f32 v50, v47;
	[tilespmem:v58+s25+$0x0] =	vst.idx.add.f32.msk $0xffff, v16  }
0x124: {  	v2 =	vmul.f32 v53, v51;
	v41 =	vadd.s32 $0xE0, v58;
	v53 =	vmul.f32 v60, v36;
	[tilespmem:v40+s2+$0x0] =	vst.idx.add.f32.msk $0xffff, v62  }
0x125: {  	v35 =	vmul.f32 v35, v45;
	v23 =	vmul.f32 v23, v42;
	[tilespmem:v61+s2+$0x0] =	vst.idx.add.f32.msk $0xffff, v25  }
0x126: {  	v50 =	vadd.s32 $0xE1, v58;
	v58 =	vmul.f32 v44, v43;
	v44 =	vmul.f32 v44, v45;
	[tilespmem:v40+s25+$0x0] =	vst.idx.add.f32.msk $0xffff, v53  }
0x127: {  	v42 =	vmul.f32 v55, v52;
	v25 =	vmul.f32 v49, v47;
	[tilespmem:v61+s25+$0x0] =	vst.idx.add.f32.msk $0xffff, v3  }
0x128: {  	v26 =	vmul.f32 v32, v43;
	v32 =	vmul.f32 v32, v45;
	[tilespmem:v21+s2+$0x0] =	vst.idx.add.f32.msk $0xffff, v44  }
0x129: {  	v60 =	vmul.f32 v56, v52;
	v48 =	vmul.f32 v59, v36;
	v3 =	vadd.s32 $0x1, v57;
	[tilespmem:v41+s2+$0x0] =	vst.idx.add.f32.msk $0xffff, v25  }
0x12a: {  	v16 =	vmul.f32 v39, v43;
	v43 =	vmul.f32 v54, v52;
	[tilespmem:v21+s25+$0x0] =	vst.idx.add.f32.msk $0xffff, v58  }
0x12b: {  	v51 =	vadd.s32 $0x1, v40;
	v62 =	vmul.f32 v56, v46;
	v54 =	vmul.f32 v54, v46;
	[tilespmem:v41+s25+$0x0] =	vst.idx.add.f32.msk $0xffff, v0  }
0x12c: {  	v52 =	vmul.f32 v59, v37;
	v56 =	vadd.s32 $0xE1, v57;
	v53 =	vmul.f32 v55, v46;
	[tilespmem:v50+s2+$0x0] =	vst.idx.add.f32.msk $0xffff, v1  }
0x12d: {  	v55 =	vadd.s32 $0x1, v38;
	v49 =	vadd.s32 $0x1, v20;
	v47 =	vadd.s32 $0xE0, v21;
	[tilespmem:v50+s25+$0x0] =	vst.idx.add.f32.msk $0xffff, v2  }
0x12e: {  	s28 =	simm.s32 $0x1AF80;
	s12 =	simm.s32 $0x1A180;
	s11 =	simm.s32 $0x1A880;
	v46 =	vadd.s32 $0xE0, v57;
	v44 =	vadd.s32 $0xE0, v40;
	v50 =	vadd.s32 $0x1, v21;
	[tilespmem:v3+s2+$0x0] =	vst.idx.add.f32.msk $0xffff, v62  }
0x12f: {  	s19 =	simm.s32 $0x0;
	s1 =	simm.s32 $0x1B680;
	s4 =	simm.s32 $0x19A80;
	v25 =	vmul.f32 v39, v45;
	v45 =	vadd.s32 $0xE0, v38;
	v41 =	vadd.s32 $0x1, v22;
	[tilespmem:v3+s25+$0x0] =	vst.idx.add.f32.msk $0xffff, v60  }
.LBB2_19:
0x130: {  	[tilespmem:v38+s25+$0x0] =	vst.idx.add.f32.msk $0xffff, v33  }
0x131: {  	[tilespmem:v20+s2+$0x0] =	vst.idx.add.f32.msk $0xffff, v29  }
0x132: {  	[tilespmem:v22+s2+$0x0] =	vst.idx.add.f32.msk $0xffff, v18  }
0x133: {  	[tilespmem:v50+s2+$0x0] =	vst.idx.add.f32.msk $0xffff, v35  }
0x134: {  	v0 =	vld [tilespmem:$0x1FFC0]  }
0x135: {  	v57 =	vld [tilespmem:$0x1FFD0]  }
0x136: {  	v58 =	vld [tilespmem:$0x1FFF0]  }
0x137: {  	v3 =	vld [tilespmem:s1+$0x30]  }
0x138: {  	[tilespmem:v55+s2+$0x0] =	vst.idx.add.f32.msk $0xffff, v34  }
0x139: {  	[tilespmem:v20+s25+$0x0] =	vst.idx.add.f32.msk $0xffff, v27  }
0x13a: {  	[tilespmem:v46+s2+$0x0] =	vst.idx.add.f32.msk $0xffff, v54  }
0x13b: {  	[tilespmem:v51+s2+$0x0] =	vst.idx.add.f32.msk $0xffff, v52  }
0x13c: {  	[tilespmem:v22+s25+$0x0] =	vst.idx.add.f32.msk $0xffff, v17  }
0x13d: {  	[tilespmem:v50+s25+$0x0] =	vst.idx.add.f32.msk $0xffff, v28  }
0x13e: {  	v17 =	vadd.s32 $0xE1, v38;
	v38 =	vld [tilespmem:s11+$0x10]  }
0x13f: {  	v52 =	vld [tilespmem:s4+$0x30]  }
0x140: {  	[tilespmem:v46+s25+$0x0] =	vst.idx.add.f32.msk $0xffff, v43  }
0x141: {  	[tilespmem:v55+s25+$0x0] =	vst.idx.add.f32.msk $0xffff, v30  }
0x142: {  	[tilespmem:v51+s25+$0x0] =	vst.idx.add.f32.msk $0xffff, v48  }
0x143: {  	[tilespmem:v41+s2+$0x0] =	vst.idx.add.f32.msk $0xffff, v12  }
0x144: {  	[tilespmem:v49+s2+$0x0] =	vst.idx.add.f32.msk $0xffff, v19  }
0x145: {  	[tilespmem:v47+s2+$0x0] =	vst.idx.add.f32.msk $0xffff, v32  }
0x146: {  	v55 =	vld [tilespmem:s1+$0x10]  }
0x147: {  	[tilespmem:v56+s2+$0x0] =	vst.idx.add.f32.msk $0xffff, v53  }
0x148: {  	[tilespmem:v45+s2+$0x0] =	vst.idx.add.f32.msk $0xffff, v31  }
0x149: {  	[tilespmem:v49+s25+$0x0] =	vst.idx.add.f32.msk $0xffff, v15  }
0x14a: {  	s17 =	sadd.s32 $0x80, s17;
	[tilespmem:v47+s25+$0x0] =	vst.idx.add.f32.msk $0xffff, v26  }
0x14b: {  	v47 =	vld [tilespmem:s17+$0x10]  }
0x14c: {  	[tilespmem:v56+s25+$0x0] =	vst.idx.add.f32.msk $0xffff, v42  }
0x14d: {  	v18 =	vadd.s32 $0xE0, v20;
	[tilespmem:v45+s25+$0x0] =	vst.idx.add.f32.msk $0xffff, v24  }
0x14e: {  	v27 =	vmul.f32 v11, v37;
	v11 =	vmul.f32 v11, v36;
	v56 =	vld [tilespmem:$0x1FFE0]  }
0x14f: {  	v24 =	vmul.f32 v8, v37;
	v8 =	vmul.f32 v8, v36;
	v36 =	vld [tilespmem:s12+$0x10]  }
0x150: {  	v37 =	vld [tilespmem:s28+$0x10]  }
0x151: {  	[tilespmem:v44+s2+$0x0] =	vst.idx.add.f32.msk $0xffff, v27  }
0x152: {  	[tilespmem:v18+s2+$0x0] =	vst.idx.add.f32.msk $0xffff, v13  }
0x153: {  	s18 =	sadd.s32 $0x80, s18;
	[tilespmem:v41+s25+$0x0] =	vst.idx.add.f32.msk $0xffff, v0  }
0x154: {  	v41 =	vld [tilespmem:s18+$0x20]  }
0x155: {  	v48 =	vld [tilespmem:s17+$0x20]  }
0x156: {  	v40 =	vadd.s32 $0xE1, v40;
	v51 =	vld [tilespmem:s28+$0x20]  }
0x157: {  	[tilespmem:v44+s25+$0x0] =	vst.idx.add.f32.msk $0xffff, v11  }
0x158: {  	v20 =	vadd.s32 $0xE1, v20;
	[tilespmem:v17+s2+$0x0] =	vst.idx.add.f32.msk $0xffff, v23  }
0x159: {  	[tilespmem:v18+s25+$0x0] =	vst.idx.add.f32.msk $0xffff, v10  }
0x15a: {  	v15 =	vadd.s32 $0xE1, v21;
	v44 =	vld [tilespmem:s18+$0x10]  }
0x15b: {  	[tilespmem:v40+s2+$0x0] =	vst.idx.add.f32.msk $0xffff, v24  }
0x15c: {  	[tilespmem:v17+s25+$0x0] =	vst.idx.add.f32.msk $0xffff, v14  }
0x15d: {  	[tilespmem:v20+s2+$0x0] =	vst.idx.add.f32.msk $0xffff, v9  }
0x15e: {  	[tilespmem:v40+s25+$0x0] =	vst.idx.add.f32.msk $0xffff, v8  }
0x15f: {  	[tilespmem:v15+s2+$0x0] =	vst.idx.add.f32.msk $0xffff, v25  }
0x160: {  	[tilespmem:v20+s25+$0x0] =	vst.idx.add.f32.msk $0xffff, v7  }
0x161: {  	v12 =	vadd.s32 $0xE0, v22;
	v20 =	vld [tilespmem:s28+$0xFFFFFFF0]  }
0x162: {  	v21 =	vld [tilespmem:s11+$0xFFFFFFF0]  }
0x163: {  	v23 =	vld [tilespmem:s12+$0xFFFFFFF0]  }
0x164: {  	v63 =	vld [tilespmem:s18+$0xFFFFFFF0]  }
0x165: {  	v40 =	vld [tilespmem:s12+$0x20]  }
0x166: {  	[tilespmem:v12+s2+$0x0] =	vst.idx.add.f32.msk $0xffff, v56  }
0x167: {  	v22 =	vadd.s32 $0xE1, v22;
	[tilespmem:v15+s25+$0x0] =	vst.idx.add.f32.msk $0xffff, v16  }
0x168: {  	v11 =	vld [tilespmem:s1+$0xFFFFFFD0]  }
0x169: {  	v13 =	vld [tilespmem:s28+$0xFFFFFFD0]  }
0x16a: {  	v14 =	vld [tilespmem:s11+$0xFFFFFFD0]  }
0x16b: {  	[tilespmem:v12+s25+$0x0] =	vst.idx.add.f32.msk $0xffff, v57  }
0x16c: {  	[tilespmem:v22+s2+$0x0] =	vst.idx.add.f32.msk $0xffff, v6  }
0x16d: {  	[tilespmem:v22+s25+$0x0] =	vst.idx.add.f32.msk $0xffff, v58  }
0x16e: {  	v2 =	vld [tilespmem:s1+$0xFFFFFFC0]  }
0x16f: {  	v5 =	vld [tilespmem:s28+$0xFFFFFFC0]  }
0x170: {  	v6 =	vld [tilespmem:s11+$0xFFFFFFC0]  }
0x171: {  	v7 =	vld [tilespmem:s17+$0xFFFFFFC0]  }
0x172: {  	v9 =	vld [tilespmem:s12+$0xFFFFFFC0]  }
0x173: {  	v8 =	vld [tilespmem:s18+$0xFFFFFFC0]  }
0x174: {  	v16 =	vld [tilespmem:s1+$0xFFFFFFF0]  }
0x175: {  	v25 =	vld [tilespmem:s28+$0xFFFFFFE0]  }
0x176: {  	v32 =	vld [tilespmem:s11+$0xFFFFFFE0];
	v59 =	vmul.f32 v6, v7;
	v60 =	vmul.f32 v5, v7  }
0x177: {  	v17 =	vmul.f32 v9, v7;
	v62 =	vmul.f32 v2, v7;
	v7 =	vld [tilespmem:s17+$0xFFFFFFD0]  }
0x178: {  	v18 =	vmul.f32 v9, v8;
	v9 =	vld [tilespmem:s18+$0xFFFFFFD0]  }
0x179: {  	v0 =	vld [tilespmem:s17+$0xFFFFFFE0]  }
0x17a: {  	v1 =	vld [tilespmem:s12+$0xFFFFFFE0];
	v34 =	vmul.f32 v21, v63;
	v12 =	vmul.f32 v6, v8  }
0x17b: {  	v61 =	vmul.f32 v5, v8;
	v6 =	vmul.f32 v2, v8;
	v8 =	vld [tilespmem:s12+$0xFFFFFFD0]  }
0x17c: {  	v22 =	vld [tilespmem:s1+$0xFFFFFFE0];
	v31 =	vmul.f32 v20, v63;
	v39 =	vmul.f32 v23, v63  }
0x17d: {  	v15 =	vmul.f32 v14, v7;
	v19 =	vmul.f32 v14, v9;
	v14 =	vld [tilespmem:s17+$0xFFFFFFF0]  }
0x17e: {  	v28 =	vmul.f32 v32, v0;
	v26 =	vmul.f32 v25, v0;
	v2 =	vld [tilespmem:s18+$0xFFFFFFE0]  }
0x17f: {  	v45 =	vmul.f32 v1, v0;
	[tilespmem:$0x1FFD0] =	vst v60;
	v60 =	vld [tilespmem:s28+$0x30];
	v10 =	vmul.f32 v13, v7  }
0x180: {  	[tilespmem:$0x1FFE0] =	vst v61;
	v61 =	vld [tilespmem:s11+$0x30];
	v27 =	vmul.f32 v8, v7;
	v7 =	vmul.f32 v11, v7  }
0x181: {  	[tilespmem:$0x1FFF0] =	vst v62;
	v62 =	vld [tilespmem:s12+$0x30];
	v29 =	vmul.f32 v8, v9;
	v13 =	vmul.f32 v13, v9  }
0x182: {  	v9 =	vmul.f32 v11, v9;
	v30 =	vmul.f32 v21, v14;
	v21 =	vld [tilespmem:s17+$0x30]  }
0x183: {  	[tilespmem:$0x1FFC0] =	vst v59;
	v59 =	vld [tilespmem:s1+$0x20];
	v46 =	vmul.f32 v1, v2;
	v35 =	vmul.f32 v32, v2  }
0x184: {  	v33 =	vmul.f32 v23, v14;
	v23 =	vmul.f32 v16, v63;
	v63 =	vld [tilespmem:s18+$0x30]  }
0x185: {  	v8 =	vld [tilespmem:s1+$0x0];
	v32 =	vmul.f32 v25, v2;
	v25 =	vmul.f32 v22, v2  }
0x186: {  	v11 =	vld [tilespmem:s28+$0x0];
	v24 =	vmul.f32 v20, v14;
	v14 =	vmul.f32 v16, v14  }
0x187: {  	v16 =	vmul.f32 v22, v0;
	v22 =	vld [tilespmem:s4+$0xFFFFFFC0];
	v53 =	vmul.f32 v61, v21  }
0x188: {  	v20 =	vld [tilespmem:s4+$0xFFFFFFD0];
	v0 =	vmul.f32 v60, v21;
	v1 =	vmul.f32 v62, v21  }
0x189: {  	v57 =	vmul.f32 v3, v21;
	v21 =	vld [tilespmem:s4+$0xFFFFFFE0];
	v50 =	vmul.f32 v62, v63  }
0x18a: {  	v2 =	vadd.s32 $0x1, v52;
	v43 =	vmul.f32 v60, v63;
	v60 =	vld [tilespmem:s11+$0x20]  }
0x18b: {  	[tilespmem:v52+s2+$0x0] =	vst.idx.add.f32.msk $0xffff, v50  }
0x18c: {  	v50 =	vld [tilespmem:s4+$0x10]  }
0x18d: {  	v49 =	vmul.f32 v61, v63;
	v61 =	vadd.s32 $0xE0, v52;
	[tilespmem:v52+s25+$0x0] =	vst.idx.add.f32.msk $0xffff, v1  }
0x18e: {  	v56 =	vmul.f32 v37, v47;
	v1 =	vmul.f32 v37, v44;
	v37 =	vld [tilespmem:s18+$0x0]  }
0x18f: {  	[tilespmem:v2+s2+$0x0] =	vst.idx.add.f32.msk $0xffff, v49  }
0x190: {  	v58 =	vmul.f32 v3, v63;
	v3 =	vadd.s32 $0xE1, v52;
	[tilespmem:v2+s25+$0x0] =	vst.idx.add.f32.msk $0xffff, v53  }
0x191: {  	v2 =	vld [tilespmem:s12+$0x0]  }
0x192: {  	[tilespmem:v61+s2+$0x0] =	vst.idx.add.f32.msk $0xffff, v43  }
0x193: {  	[tilespmem:v61+s25+$0x0] =	vst.idx.add.f32.msk $0xffff, v0  }
0x194: {  	v49 =	vmul.f32 v38, v47;
	v0 =	vmul.f32 v38, v44;
	v38 =	vld [tilespmem:s4+$0xFFFFFFF0]  }
0x195: {  	[tilespmem:v3+s2+$0x0] =	vst.idx.add.f32.msk $0xffff, v58  }
0x196: {  	v61 =	vmul.f32 v55, v47;
	v58 =	vmul.f32 v36, v47;
	v47 =	vld [tilespmem:s11+$0x0]  }
0x197: {  	v63 =	vmul.f32 v36, v44;
	v36 =	vld [tilespmem:s17+$0x0]  }
0x198: {  	[tilespmem:v21+s2+$0x0] =	vst.idx.add.f32.msk $0xffff, v46  }
0x199: {  	[tilespmem:v3+s25+$0x0] =	vst.idx.add.f32.msk $0xffff, v57  }
0x19a: {  	v5 =	vadd.s32 $0x1, v50;
	v57 =	vld [tilespmem:s4+$0x20]  }
0x19b: {  	v52 =	vmul.f32 v40, v48;
	v3 =	vmul.f32 v40, v41;
	v40 =	vld [tilespmem:s4+$0x0]  }
0x19c: {  	v42 =	vmul.f32 v59, v48;
	v53 =	vmul.f32 v59, v41;
	v59 =	vadd.s32 $0xE0, v50;
	[tilespmem:v21+s25+$0x0] =	vst.idx.add.f32.msk $0xffff, v45  }
0x19d: {  	[tilespmem:v50+s2+$0x0] =	vst.idx.add.f32.msk $0xffff, v63  }
0x19e: {  	[tilespmem:v50+s25+$0x0] =	vst.idx.add.f32.msk $0xffff, v58  }
0x19f: {  	v63 =	vadd.s32 $0xE1, v50;
	[tilespmem:v5+s2+$0x0] =	vst.idx.add.f32.msk $0xffff, v0  }
0x1a0: {  	[tilespmem:v5+s25+$0x0] =	vst.idx.add.f32.msk $0xffff, v49  }
0x1a1: {  	[tilespmem:v59+s2+$0x0] =	vst.idx.add.f32.msk $0xffff, v1  }
0x1a2: {  	v4 =	vmul.f32 v55, v44;
	[tilespmem:v59+s25+$0x0] =	vst.idx.add.f32.msk $0xffff, v56  }
0x1a3: {  	[tilespmem:v38+s2+$0x0] =	vst.idx.add.f32.msk $0xffff, v39  }
0x1a4: {  	v0 =	vadd.s32 $0x1, v57;
	[tilespmem:v63+s2+$0x0] =	vst.idx.add.f32.msk $0xffff, v4  }
0x1a5: {  	s19 =	sadd.s32 $0x8, s19;
	v54 =	vmul.f32 v51, v41;
	v62 =	vmul.f32 v60, v48;
	[tilespmem:v57+s2+$0x0] =	vst.idx.add.f32.msk $0xffff, v3  }
0x1a6: {  	p1 =	slt.u32 s19, $0x68;
	v3 =	vmul.f32 v2, v36;
	v2 =	vmul.f32 v2, v37;
	[tilespmem:v63+s25+$0x0] =	vst.idx.add.f32.msk $0xffff, v61  }
.Ltmp12:
0x1a7: {  	v60 =	vmul.f32 v60, v41;
	v43 =	vmul.f32 v51, v48;
	[tilespmem:v57+s25+$0x0] =	vst.idx.add.f32.msk $0xffff, v52;
	(pc) =	sbr.rel @p1 .LBB2_19-.Ltmp12, $4  }
0x1a8: {  	v41 =	vadd.s32 $0x1, v22;
	v50 =	vadd.s32 $0x1, v21;
	v55 =	vadd.s32 $0x1, v38;
	[tilespmem:v40+s2+$0x0] =	vst.idx.add.f32.msk $0xffff, v2  }
0x1a9: {  	v45 =	vadd.s32 $0xE0, v38;
	v48 =	vmul.f32 v47, v36;
	v49 =	vadd.s32 $0x1, v20;
	[tilespmem:v0+s2+$0x0] =	vst.idx.add.f32.msk $0xffff, v60  }
0x1aa: {  	s28 =	sadd.s32 $0x80, s28;
	s1 =	sadd.s32 $0x80, s1;
	v51 =	vadd.s32 $0x1, v40;
	v44 =	vadd.s32 $0xE0, v40;
	v46 =	vadd.s32 $0xE0, v57;
	[tilespmem:v40+s25+$0x0] =	vst.idx.add.f32.msk $0xffff, v3  }
0x1ab: {  	s12 =	sadd.s32 $0x80, s12;
	s11 =	sadd.s32 $0x80, s11;
	s4 =	sadd.s32 $0x80, s4;
	v56 =	vadd.s32 $0xE1, v57;
	v52 =	vmul.f32 v47, v37;
	v47 =	vadd.s32 $0xE0, v21;
	[tilespmem:v0+s25+$0x0] =	vst.idx.add.f32.msk $0xffff, v62  }
0x1ac: {  	_ =	sdelay $0x3  }
0x1ad: {  	[tilespmem:v38+s25+$0x0] =	vst.idx.add.f32.msk $0xffff, v33  }
0x1ae: {  	[tilespmem:v20+s2+$0x0] =	vst.idx.add.f32.msk $0xffff, v29  }
0x1af: {  	[tilespmem:v46+s2+$0x0] =	vst.idx.add.f32.msk $0xffff, v54  }
0x1b0: {  	[tilespmem:v22+s2+$0x0] =	vst.idx.add.f32.msk $0xffff, v18  }
0x1b1: {  	[tilespmem:v50+s2+$0x0] =	vst.idx.add.f32.msk $0xffff, v35  }
0x1b2: {  	[tilespmem:v55+s2+$0x0] =	vst.idx.add.f32.msk $0xffff, v34  }
0x1b3: {  	[tilespmem:v20+s25+$0x0] =	vst.idx.add.f32.msk $0xffff, v27  }
0x1b4: {  	[tilespmem:v46+s25+$0x0] =	vst.idx.add.f32.msk $0xffff, v43  }
0x1b5: {  	[tilespmem:v51+s2+$0x0] =	vst.idx.add.f32.msk $0xffff, v52  }
0x1b6: {  	[tilespmem:v22+s25+$0x0] =	vst.idx.add.f32.msk $0xffff, v17  }
0x1b7: {  	[tilespmem:v50+s25+$0x0] =	vst.idx.add.f32.msk $0xffff, v28  }
0x1b8: {  	[tilespmem:v56+s2+$0x0] =	vst.idx.add.f32.msk $0xffff, v53  }
0x1b9: {  	[tilespmem:v55+s25+$0x0] =	vst.idx.add.f32.msk $0xffff, v30  }
0x1ba: {  	[tilespmem:v51+s25+$0x0] =	vst.idx.add.f32.msk $0xffff, v48  }
0x1bb: {  	[tilespmem:v41+s2+$0x0] =	vst.idx.add.f32.msk $0xffff, v12  }
0x1bc: {  	[tilespmem:v49+s2+$0x0] =	vst.idx.add.f32.msk $0xffff, v19  }
0x1bd: {  	[tilespmem:v47+s2+$0x0] =	vst.idx.add.f32.msk $0xffff, v32  }
0x1be: {  	v0 =	vmul.f32 v11, v37;
	[tilespmem:v56+s25+$0x0] =	vst.idx.add.f32.msk $0xffff, v42  }
0x1bf: {  	[tilespmem:v45+s2+$0x0] =	vst.idx.add.f32.msk $0xffff, v31  }
0x1c0: {  	v33 =	vadd.s32 $0xE1, v40;
	[tilespmem:v44+s2+$0x0] =	vst.idx.add.f32.msk $0xffff, v0  }
0x1c1: {  	v1 =	vadd.s32 $0xE0, v20;
	[tilespmem:v49+s25+$0x0] =	vst.idx.add.f32.msk $0xffff, v15  }
0x1c2: {  	v2 =	vmul.f32 v11, v36;
	v3 =	vadd.s32 $0xE1, v38;
	[tilespmem:v47+s25+$0x0] =	vst.idx.add.f32.msk $0xffff, v26  }
0x1c3: {  	v4 =	vmul.f32 v8, v37;
	[tilespmem:v45+s25+$0x0] =	vst.idx.add.f32.msk $0xffff, v24  }
0x1c4: {  	[tilespmem:v44+s25+$0x0] =	vst.idx.add.f32.msk $0xffff, v2  }
0x1c5: {  	[tilespmem:v33+s2+$0x0] =	vst.idx.add.f32.msk $0xffff, v4  }
0x1c6: {  	v5 =	vmul.f32 v8, v36;
	[tilespmem:v1+s2+$0x0] =	vst.idx.add.f32.msk $0xffff, v13  }
0x1c7: {  	[tilespmem:v3+s2+$0x0] =	vst.idx.add.f32.msk $0xffff, v23  }
0x1c8: {  	[tilespmem:v33+s25+$0x0] =	vst.idx.add.f32.msk $0xffff, v5  }
0x1c9: {  	[tilespmem:v1+s25+$0x0] =	vst.idx.add.f32.msk $0xffff, v10  }
0x1ca: {  	v4 =	vld [tilespmem:$0x1FFC0];
	_ =	sdelay $0x4  }
0x1cb: {  	[tilespmem:v41+s25+$0x0] =	vst.idx.add.f32.msk $0xffff, v4  }
0x1cc: {  	v34 =	vadd.s32 $0xE0, v22;
	v5 =	vld [tilespmem:$0x1FFE0];
	_ =	sdelay $0x2  }
0x1cd: {  	v36 =	vadd.s32 $0xE1, v21  }
0x1ce: {  	v4 =	vadd.s32 $0xE1, v20  }
0x1cf: {  	[tilespmem:v34+s2+$0x0] =	vst.idx.add.f32.msk $0xffff, v5  }
0x1d0: {  	v5 =	vld [tilespmem:$0x1FFD0]  }
0x1d1: {  	[tilespmem:v3+s25+$0x0] =	vst.idx.add.f32.msk $0xffff, v14  }
0x1d2: {  	v35 =	vadd.s32 $0xE1, v22;
	[tilespmem:v36+s2+$0x0] =	vst.idx.add.f32.msk $0xffff, v25  }
0x1d3: {  	[tilespmem:v4+s2+$0x0] =	vst.idx.add.f32.msk $0xffff, v9  }
0x1d4: {  	[tilespmem:v4+s25+$0x0] =	vst.idx.add.f32.msk $0xffff, v7  }
0x1d5: {  	[tilespmem:v36+s25+$0x0] =	vst.idx.add.f32.msk $0xffff, v16  }
0x1d6: {  	[tilespmem:v34+s25+$0x0] =	vst.idx.add.f32.msk $0xffff, v5  }
0x1d7: {  	p1 =	seq.s32 s16, $0xD;
	[tilespmem:v35+s2+$0x0] =	vst.idx.add.f32.msk $0xffff, v6  }
0x1d8: {  	s1 =	smul.u32 @!p1 $0xE00, s16;
	v1 =	vld [tilespmem:$0x1FFF0]  }
0x1d9: {  	p2 =	seq.s32 @!p1 s0, $0x30  }
0x1da: {  	p2 =	por p2, p1;
	s1 =	sadd.s32 @!p1 $0xE00, s1  }
0x1db: {  	s4 =	sadd.s32 @!p2 s29, s1  }
0x1dc: {  	s4 =	sshrl.u32 @!p2 s4, $0x3  }
0x1dd: {  	s11 =	simm.s32 @!p2 $0x0;
	s12 =	simm.s32 @!p2 $0x18BC0;
	s4 =	sadd.s32 @!p2 s3, s4;
	[tilespmem:v35+s25+$0x0] =	vst.idx.add.f32.msk $0xffff, v1  }
0x1de: {  	[tilespmem:s12], [sflag:$0x1] =	stream.linear.gather @!p2 [hbm4b:s4+s11], $0x700, $0x38;
	[tilespmem:$0x1EDC0] =	vst v63  }
0x1df: {  	s4 =	sadd.s32 @!p2 s1, s15  }
0x1e0: {  	s1 =	sadd.s32 @!p1 s13, s1;
	s4 =	sshrl.u32 @!p2 s4, $0x3  }
0x1e1: {  	s12 =	simm.s32 @!p2 $0x192C0;
	s1 =	sshrl.u32 @!p1 s1, $0x3;
	s4 =	sadd.s32 @!p2 s3, s4  }
0x1e2: {  	[tilespmem:s12], [sflag:$0x1] =	stream.linear.gather @!p2 [hbm4b:s4+s11], $0x700, $0x38;
	[tilespmem:$0x1EDC0] =	vst v63  }
0x1e3: {  	s4 =	sadd.s32 @!p1 s5, s1;
	s11 =	simm.s32 @!p1 $0x0;
	s12 =	simm.s32 @!p1 $0x199C0  }
0x1e4: {  	[tilespmem:s12], [sflag:$0x1] =	stream.linear.gather @!p1 [hbm4b:s4+s11], $0x700, $0x38;
	[tilespmem:$0x1EDC0] =	vst v63  }
0x1e5: {  	s4 =	sadd.s32 @!p1 s6, s1;
	s12 =	simm.s32 @!p1 $0x1A0C0  }
0x1e6: {  	[tilespmem:s12], [sflag:$0x1] =	stream.linear.gather @!p1 [hbm4b:s4+s11], $0x700, $0x38;
	[tilespmem:$0x1EDC0] =	vst v63  }
0x1e7: {  	s4 =	sadd.s32 @!p1 s8, s1;
	s12 =	simm.s32 @!p1 $0x1A7C0  }
0x1e8: {  	[tilespmem:s12], [sflag:$0x1] =	stream.linear.gather @!p1 [hbm4b:s4+s11], $0x700, $0x38;
	[tilespmem:$0x1EDC0] =	vst v63  }
0x1e9: {  	s4 =	sadd.s32 @!p1 s9, s1;
	s12 =	simm.s32 @!p1 $0x1AEC0  }
0x1ea: {  	[tilespmem:s12], [sflag:$0x1] =	stream.linear.gather @!p1 [hbm4b:s4+s11], $0x700, $0x38;
	[tilespmem:$0x1EDC0] =	vst v63  }
0x1eb: {  	s1 =	sadd.s32 @!p1 s10, s1;
	s4 =	simm.s32 @!p1 $0x1B5C0  }
0x1ec: {  	[tilespmem:s4], [sflag:$0x1] =	stream.linear.gather @!p1 [hbm4b:s1+s11], $0x700, $0x38;
	[tilespmem:$0x1EDC0] =	vst v63  }
0x1ed: {  	s1 =	simm.s32 @!p0 $0x2  }
0x1ee: {  	_ =	swait.ge @!p0 [sflag:s1], $0x700  }
0x1ef: {  	[sflag:s1] =	ssyncset.done @!p0 $0x0  }
0x1f0: {  	[sflag:s1] =	ssyncadd.s32 @!p0 $0xFFFFF900  }
0x1f1: {  	_ =	swait.ge @!p0 [sflag:s1], $0x700  }
0x1f2: {  	[sflag:s1] =	ssyncset.done @!p0 $0x0  }
0x1f3: {  	[sflag:s1] =	ssyncadd.s32 @!p0 $0xFFFFF900  }
0x1f4: {  	_ =	swait.ge [sflag:s26], $0x700  }
0x1f5: {  	[sflag:s26] =	ssyncset.done $0x0  }
0x1f6: {  	[sflag:s26] =	ssyncadd.s32 $0xFFFFF900  }
0x1f7: {  	_ =	swait.ge [sflag:s26], $0x700  }
0x1f8: {  	[sflag:s26] =	ssyncset.done $0x0  }
0x1f9: {  	[sflag:s26] =	ssyncadd.s32 $0xFFFFF900  }
0x1fa: {  	_ =	swait.ge [sflag:s26], $0x700  }
0x1fb: {  	[sflag:s26] =	ssyncset.done $0x0  }
0x1fc: {  	[sflag:s26] =	ssyncadd.s32 $0xFFFFF900  }
0x1fd: {  	_ =	swait.ge [sflag:s26], $0x700  }
0x1fe: {  	[sflag:s26] =	ssyncset.done $0x0  }
0x1ff: {  	[sflag:s26] =	ssyncadd.s32 $0xFFFFF900  }
0x200: {  	_ =	swait.ge [sflag:s26], $0x700  }
0x201: {  	[sflag:s26] =	ssyncset.done $0x0  }
0x202: {  	s11 =	simm.s32 $0x1E700;
	[sflag:s26] =	ssyncadd.s32 $0xFFFFF900  }
0x203: {  	s12 =	simm.s32 $0x1E000;
	v0 =	vld [tilespmem:s11+$0xFFFFFFC0]  }
0x204: {  	s1 =	simm.s32 $0x1D900;
	v1 =	vld [tilespmem:s12+$0xFFFFFFC0]  }
0x205: {  	s17 =	simm.s32 $0x1C400;
	v4 =	vld [tilespmem:s1+$0xFFFFFFC0]  }
0x206: {  	s18 =	simm.s32 $0x1BD00;
	v7 =	vld [tilespmem:s17+$0xFFFFFFC0]  }
0x207: {  	s4 =	simm.s32 $0x1D200;
	v6 =	vld [tilespmem:s18+$0xFFFFFFC0]  }
0x208: {  	v9 =	vld [tilespmem:s4+$0xFFFFFFC0]  }
0x209: {  	v14 =	vld [tilespmem:s11+$0xFFFFFFD0]  }
0x20a: {  	v13 =	vld [tilespmem:s12+$0xFFFFFFD0]  }
0x20b: {  	v18 =	vld [tilespmem:s1+$0xFFFFFFD0]  }
0x20c: {  	v19 =	vld [tilespmem:s11+$0xFFFFFFF0]  }
0x20d: {  	v23 =	vld [tilespmem:s12+$0xFFFFFFF0]  }
0x20e: {  	v24 =	vld [tilespmem:s17+$0xFFFFFFD0]  }
0x20f: {  	v25 =	vld [tilespmem:s4+$0xFFFFFFD0]  }
0x210: {  	v26 =	vld [tilespmem:s18+$0xFFFFFFD0]  }
0x211: {  	v28 =	vld [tilespmem:s1+$0xFFFFFFF0]  }
0x212: {  	v39 =	vld [tilespmem:s11+$0xFFFFFFE0]  }
0x213: {  	v32 =	vld [tilespmem:s12+$0xFFFFFFE0]  }
0x214: {  	v35 =	vld [tilespmem:s1+$0xFFFFFFE0]  }
0x215: {  	v31 =	vld [tilespmem:s17+$0xFFFFFFF0]  }
0x216: {  	v41 =	vld [tilespmem:s4+$0xFFFFFFF0]  }
0x217: {  	v42 =	vld [tilespmem:s18+$0xFFFFFFF0]  }
0x218: {  	v43 =	vld [tilespmem:s17+$0xFFFFFFE0]  }
0x219: {  	v8 =	vld [tilespmem:s11+$0x0]  }
0x21a: {  	v11 =	vld [tilespmem:s12+$0x0]  }
0x21b: {  	v44 =	vld [tilespmem:s4+$0xFFFFFFE0]  }
0x21c: {  	v45 =	vld [tilespmem:s18+$0xFFFFFFE0]  }
0x21d: {  	v46 =	vld [tilespmem:s18+$0x20]  }
0x21e: {  	v38 =	vld [tilespmem:s4+$0x20]  }
0x21f: {  	v47 =	vld [tilespmem:s18+$0x10]  }
0x220: {  	v48 =	vld [tilespmem:s4+$0x10]  }
0x221: {  	v49 =	vld [tilespmem:s12+$0x10]  }
0x222: {  	v50 =	vld [tilespmem:s1+$0x10]  }
0x223: {  	v51 =	vld [tilespmem:s17+$0x10]  }
0x224: {  	v52 =	vld [tilespmem:s17+$0x20]  }
0x225: {  	v10 =	vld [tilespmem:s11+$0x30]  }
0x226: {  	v5 =	vld [tilespmem:s12+$0x30]  }
0x227: {  	v37 =	vld [tilespmem:s1+$0x30]  }
0x228: {  	v3 =	vld [tilespmem:s4+$0x30]  }
0x229: {  	s19 =	simm.s32 $0x1CB00;
	v16 =	vld [tilespmem:s18+$0x30]  }
0x22a: {  	v12 =	vld [tilespmem:s19+$0x30]  }
0x22b: {  	v15 =	vld [tilespmem:s17+$0x30]  }
0x22c: {  	v22 =	vld [tilespmem:s19+$0xFFFFFFC0]  }
0x22d: {  	v20 =	vld [tilespmem:s19+$0xFFFFFFD0]  }
0x22e: {  	v53 =	vld [tilespmem:s11+$0x10]  }
0x22f: {  	v21 =	vld [tilespmem:s19+$0xFFFFFFE0];
	v17 =	vadd.s32 $0x1, v12;
	v27 =	vmul.f32 v3, v16  }
0x230: {  	v55 =	vld [tilespmem:s11+$0x20];
	v3 =	vmul.f32 v3, v15;
	v30 =	vmul.f32 v37, v16  }
0x231: {  	v54 =	vld [tilespmem:s12+$0x20];
	v29 =	vadd.s32 $0xE0, v12;
	v63 =	vmul.f32 v4, v7;
	v57 =	vmul.f32 v5, v16  }
0x232: {  	v62 =	vmul.f32 v1, v7;
	v58 =	vmul.f32 v10, v16;
	[tilespmem:v12+s2+$0x0] =	vst.idx.add.f32.msk $0xffff, v27  }
0x233: {  	v1 =	vmul.f32 v1, v6;
	v27 =	vmul.f32 v37, v15;
	[tilespmem:v12+s25+$0x0] =	vst.idx.add.f32.msk $0xffff, v3  }
0x234: {  	v59 =	vmul.f32 v10, v15;
	v16 =	vmul.f32 v9, v7;
	[tilespmem:v17+s2+$0x0] =	vst.idx.add.f32.msk $0xffff, v30  }
0x235: {  	v40 =	vadd.s32 $0xE1, v12;
	v33 =	vmul.f32 v41, v31;
	v12 =	vmul.f32 v4, v6;
	[tilespmem:v17+s25+$0x0] =	vst.idx.add.f32.msk $0xffff, v27  }
0x236: {  	v4 =	vmul.f32 v13, v24;
	v30 =	vmul.f32 v5, v15;
	[tilespmem:v29+s2+$0x0] =	vst.idx.add.f32.msk $0xffff, v57  }
0x237: {  	v56 =	vld [tilespmem:s1+$0x20];
	v5 =	vmul.f32 v0, v7;
	v15 =	vmul.f32 v18, v24;
	[tilespmem:$0x1FFB0] =	vst v1  }
0x238: {  	v7 =	vmul.f32 v14, v24;
	v17 =	vmul.f32 v9, v6;
	[tilespmem:v29+s25+$0x0] =	vst.idx.add.f32.msk $0xffff, v30  }
0x239: {  	v6 =	vmul.f32 v0, v6;
	v27 =	vmul.f32 v25, v24;
	v0 =	vld [tilespmem:s19+$0x20]  }
0x23a: {  	v9 =	vmul.f32 v14, v26;
	v24 =	vmul.f32 v23, v31;
	v1 =	vld [tilespmem:s19+$0x10]  }
0x23b: {  	v14 =	vmul.f32 v19, v31;
	v29 =	vmul.f32 v25, v26;
	v57 =	vld [tilespmem:s1+$0x0]  }
0x23c: {  	v36 =	vld [tilespmem:s17+$0x0];
	v30 =	vmul.f32 v28, v31;
	v25 =	vmul.f32 v38, v46  }
0x23d: {  	v31 =	vmul.f32 v23, v42;
	v23 =	vmul.f32 v38, v52;
	v38 =	vld [tilespmem:s19+$0xFFFFFFF0]  }
0x23e: {  	v37 =	vld [tilespmem:s18+$0x0]  }
0x23f: {  	[tilespmem:v40+s2+$0x0] =	vst.idx.add.f32.msk $0xffff, v58  }
0x240: {  	v58 =	vld [tilespmem:s4+$0x0]  }
0x241: {  	[tilespmem:v40+s25+$0x0] =	vst.idx.add.f32.msk $0xffff, v59  }
0x242: {  	v34 =	vmul.f32 v28, v42;
	v60 =	vmul.f32 v48, v47;
	v40 =	vld [tilespmem:s19+$0x0]  }
0x243: {  	v61 =	vmul.f32 v41, v42;
	v41 =	vmul.f32 v50, v47;
	v59 =	vadd.s32 $0x1, v1;
	[tilespmem:v0+s2+$0x0] =	vst.idx.add.f32.msk $0xffff, v25  }
0x244: {  	v2 =	vmul.f32 v53, v51;
	v13 =	vmul.f32 v13, v26;
	[tilespmem:v1+s2+$0x0] =	vst.idx.add.f32.msk $0xffff, v60  }
0x245: {  	v18 =	vmul.f32 v18, v26;
	v25 =	vmul.f32 v48, v51;
	[tilespmem:v38+s2+$0x0] =	vst.idx.add.f32.msk $0xffff, v61  }
0x246: {  	v28 =	vmul.f32 v35, v43;
	v26 =	vmul.f32 v32, v43;
	v48 =	vadd.s32 $0xE0, v1;
	[tilespmem:v0+s25+$0x0] =	vst.idx.add.f32.msk $0xffff, v23  }
0x247: {  	v35 =	vmul.f32 v35, v45;
	v60 =	vmul.f32 v50, v51;
	[tilespmem:v1+s25+$0x0] =	vst.idx.add.f32.msk $0xffff, v25  }
0x248: {  	v32 =	vmul.f32 v32, v45;
	v25 =	vmul.f32 v58, v37;
	[tilespmem:v59+s2+$0x0] =	vst.idx.add.f32.msk $0xffff, v41  }
0x249: {  	v50 =	vmul.f32 v49, v47;
	v47 =	vmul.f32 v53, v47;
	[tilespmem:v59+s25+$0x0] =	vst.idx.add.f32.msk $0xffff, v60  }
0x24a: {  	v53 =	vmul.f32 v58, v36;
	v23 =	vmul.f32 v19, v42;
	[tilespmem:v40+s2+$0x0] =	vst.idx.add.f32.msk $0xffff, v25  }
0x24b: {  	v1 =	vadd.s32 $0xE1, v1;
	v41 =	vmul.f32 v44, v43;
	v44 =	vmul.f32 v44, v45;
	[tilespmem:v48+s2+$0x0] =	vst.idx.add.f32.msk $0xffff, v50  }
0x24c: {  	v19 =	vmul.f32 v39, v43;
	v60 =	vmul.f32 v49, v51;
	[tilespmem:v40+s25+$0x0] =	vst.idx.add.f32.msk $0xffff, v53  }
0x24d: {  	v42 =	vmul.f32 v55, v52;
	v58 =	vmul.f32 v56, v52;
	v59 =	vadd.s32 $0x1, v0;
	[tilespmem:v21+s2+$0x0] =	vst.idx.add.f32.msk $0xffff, v44  }
0x24e: {  	v43 =	vmul.f32 v54, v52;
	v54 =	vmul.f32 v54, v46;
	[tilespmem:v48+s25+$0x0] =	vst.idx.add.f32.msk $0xffff, v60  }
0x24f: {  	v52 =	vmul.f32 v57, v37;
	v25 =	vmul.f32 v39, v45;
	v51 =	vadd.s32 $0x1, v40;
	[tilespmem:v21+s25+$0x0] =	vst.idx.add.f32.msk $0xffff, v41  }
0x250: {  	v49 =	vadd.s32 $0x1, v20;
	v45 =	vadd.s32 $0xE0, v38;
	v60 =	vmul.f32 v56, v46;
	[tilespmem:v1+s2+$0x0] =	vst.idx.add.f32.msk $0xffff, v47  }
0x251: {  	v53 =	vmul.f32 v55, v46;
	v50 =	vadd.s32 $0x1, v21;
	v46 =	vadd.s32 $0xE0, v0;
	[tilespmem:v1+s25+$0x0] =	vst.idx.add.f32.msk $0xffff, v2  }
0x252: {  	s28 =	simm.s32 $0x1E080;
	s12 =	simm.s32 $0x1D280;
	s11 =	simm.s32 $0x1D980;
	v55 =	vadd.s32 $0x1, v38;
	v44 =	vadd.s32 $0xE0, v40;
	v48 =	vmul.f32 v57, v36;
	[tilespmem:v59+s2+$0x0] =	vst.idx.add.f32.msk $0xffff, v60  }
0x253: {  	s1 =	simm.s32 $0x1E780;
	s4 =	simm.s32 $0x1CB80;
	s19 =	simm.s32 $0x0;
	v41 =	vadd.s32 $0x1, v22;
	v56 =	vadd.s32 $0xE1, v0;
	v47 =	vadd.s32 $0xE0, v21;
	[tilespmem:v59+s25+$0x0] =	vst.idx.add.f32.msk $0xffff, v58  }
.LBB2_21:
0x254: {  	[tilespmem:v38+s25+$0x0] =	vst.idx.add.f32.msk $0xffff, v33  }
0x255: {  	[tilespmem:v20+s2+$0x0] =	vst.idx.add.f32.msk $0xffff, v29  }
0x256: {  	[tilespmem:v46+s2+$0x0] =	vst.idx.add.f32.msk $0xffff, v54  }
0x257: {  	[tilespmem:v22+s2+$0x0] =	vst.idx.add.f32.msk $0xffff, v17  }
0x258: {  	[tilespmem:v50+s2+$0x0] =	vst.idx.add.f32.msk $0xffff, v35  }
0x259: {  	v59 =	vld [tilespmem:s1+$0x30]  }
0x25a: {  	v60 =	vld [tilespmem:s4+$0x30]  }
0x25b: {  	[tilespmem:v55+s2+$0x0] =	vst.idx.add.f32.msk $0xffff, v34  }
0x25c: {  	[tilespmem:v20+s25+$0x0] =	vst.idx.add.f32.msk $0xffff, v27  }
0x25d: {  	[tilespmem:v46+s25+$0x0] =	vst.idx.add.f32.msk $0xffff, v43  }
0x25e: {  	[tilespmem:v51+s2+$0x0] =	vst.idx.add.f32.msk $0xffff, v52  }
0x25f: {  	[tilespmem:v22+s25+$0x0] =	vst.idx.add.f32.msk $0xffff, v16  }
0x260: {  	s18 =	sadd.s32 $0x80, s18;
	[tilespmem:v50+s25+$0x0] =	vst.idx.add.f32.msk $0xffff, v28  }
0x261: {  	v0 =	vadd.s32 $0xE1, v40;
	v40 =	vld [tilespmem:s18+$0x10]  }
0x262: {  	v50 =	vld [tilespmem:s4+$0x10]  }
0x263: {  	[tilespmem:v56+s2+$0x0] =	vst.idx.add.f32.msk $0xffff, v53  }
0x264: {  	[tilespmem:v55+s25+$0x0] =	vst.idx.add.f32.msk $0xffff, v30  }
0x265: {  	[tilespmem:v51+s25+$0x0] =	vst.idx.add.f32.msk $0xffff, v48  }
0x266: {  	[tilespmem:v41+s2+$0x0] =	vst.idx.add.f32.msk $0xffff, v12  }
0x267: {  	[tilespmem:v49+s2+$0x0] =	vst.idx.add.f32.msk $0xffff, v18  }
0x268: {  	[tilespmem:v47+s2+$0x0] =	vst.idx.add.f32.msk $0xffff, v32  }
0x269: {  	v51 =	vld [tilespmem:$0x1FFB0]  }
0x26a: {  	v48 =	vld [tilespmem:s12+$0x30]  }
0x26b: {  	[tilespmem:v56+s25+$0x0] =	vst.idx.add.f32.msk $0xffff, v42  }
0x26c: {  	[tilespmem:v45+s2+$0x0] =	vst.idx.add.f32.msk $0xffff, v31  }
0x26d: {  	[tilespmem:v49+s25+$0x0] =	vst.idx.add.f32.msk $0xffff, v15  }
0x26e: {  	[tilespmem:v47+s25+$0x0] =	vst.idx.add.f32.msk $0xffff, v26  }
0x26f: {  	v47 =	vld [tilespmem:s11+$0x30]  }
0x270: {  	[tilespmem:v45+s25+$0x0] =	vst.idx.add.f32.msk $0xffff, v24  }
0x271: {  	[tilespmem:v41+s25+$0x0] =	vst.idx.add.f32.msk $0xffff, v63  }
0x272: {  	v16 =	vadd.s32 $0xE1, v38;
	v38 =	vld [tilespmem:s18+$0x20]  }
0x273: {  	v17 =	vmul.f32 v11, v37;
	v11 =	vmul.f32 v11, v36;
	v41 =	vld [tilespmem:s12+$0x10]  }
0x274: {  	s17 =	sadd.s32 $0x80, s17;
	v1 =	vadd.s32 $0xE0, v20;
	v24 =	vmul.f32 v8, v37;
	v8 =	vmul.f32 v8, v36;
	v36 =	vld [tilespmem:s11+$0x10]  }
0x275: {  	v37 =	vld [tilespmem:s17+$0x10]  }
0x276: {  	v63 =	vld [tilespmem:s28+$0x30]  }
0x277: {  	v49 =	vld [tilespmem:s28+$0x20]  }
0x278: {  	[tilespmem:v44+s2+$0x0] =	vst.idx.add.f32.msk $0xffff, v17  }
0x279: {  	[tilespmem:v1+s2+$0x0] =	vst.idx.add.f32.msk $0xffff, v13  }
0x27a: {  	v12 =	vadd.s32 $0xE0, v22;
	[tilespmem:v44+s25+$0x0] =	vst.idx.add.f32.msk $0xffff, v11  }
0x27b: {  	[tilespmem:v16+s2+$0x0] =	vst.idx.add.f32.msk $0xffff, v23  }
0x27c: {  	[tilespmem:v1+s25+$0x0] =	vst.idx.add.f32.msk $0xffff, v4  }
0x27d: {  	v44 =	vld [tilespmem:s17+$0x20]  }
0x27e: {  	v15 =	vadd.s32 $0xE1, v21;
	[tilespmem:v0+s2+$0x0] =	vst.idx.add.f32.msk $0xffff, v24  }
0x27f: {  	[tilespmem:v12+s2+$0x0] =	vst.idx.add.f32.msk $0xffff, v51  }
0x280: {  	[tilespmem:v16+s25+$0x0] =	vst.idx.add.f32.msk $0xffff, v14  }
0x281: {  	[tilespmem:v0+s25+$0x0] =	vst.idx.add.f32.msk $0xffff, v8  }
0x282: {  	[tilespmem:v12+s25+$0x0] =	vst.idx.add.f32.msk $0xffff, v62  }
0x283: {  	[tilespmem:v15+s2+$0x0] =	vst.idx.add.f32.msk $0xffff, v25  }
0x284: {  	v22 =	vadd.s32 $0xE1, v22;
	v53 =	vld [tilespmem:s1+$0xFFFFFFF0]  }
0x285: {  	v17 =	vadd.s32 $0xE1, v20;
	v20 =	vld [tilespmem:s11+$0xFFFFFFF0]  }
0x286: {  	v23 =	vld [tilespmem:s17+$0xFFFFFFF0]  }
0x287: {  	v25 =	vld [tilespmem:s12+$0xFFFFFFF0]  }
0x288: {  	v56 =	vld [tilespmem:s18+$0xFFFFFFF0]  }
0x289: {  	[tilespmem:v22+s2+$0x0] =	vst.idx.add.f32.msk $0xffff, v6  }
0x28a: {  	[tilespmem:v15+s25+$0x0] =	vst.idx.add.f32.msk $0xffff, v19  }
0x28b: {  	v19 =	vld [tilespmem:s28+$0xFFFFFFF0]  }
0x28c: {  	v51 =	vld [tilespmem:s11+$0x0]  }
0x28d: {  	[tilespmem:v17+s2+$0x0] =	vst.idx.add.f32.msk $0xffff, v9  }
0x28e: {  	[tilespmem:v22+s25+$0x0] =	vst.idx.add.f32.msk $0xffff, v5  }
0x28f: {  	v21 =	vld [tilespmem:s1+$0xFFFFFFE0]  }
0x290: {  	v22 =	vld [tilespmem:s28+$0xFFFFFFE0]  }
0x291: {  	v55 =	vld [tilespmem:s11+$0xFFFFFFE0]  }
0x292: {  	v35 =	vld [tilespmem:s17+$0xFFFFFFE0]  }
0x293: {  	v57 =	vld [tilespmem:s12+$0xFFFFFFE0]  }
0x294: {  	v58 =	vld [tilespmem:s18+$0xFFFFFFE0]  }
0x295: {  	[tilespmem:v17+s25+$0x0] =	vst.idx.add.f32.msk $0xffff, v7  }
0x296: {  	v0 =	vld [tilespmem:s1+$0xFFFFFFC0]  }
0x297: {  	v52 =	vld [tilespmem:s28+$0xFFFFFFC0]  }
0x298: {  	v4 =	vld [tilespmem:s11+$0xFFFFFFC0]  }
0x299: {  	v7 =	vld [tilespmem:s17+$0xFFFFFFC0]  }
0x29a: {  	v6 =	vld [tilespmem:s18+$0xFFFFFFC0]  }
0x29b: {  	v8 =	vld [tilespmem:s12+$0xFFFFFFC0];
	v30 =	vmul.f32 v20, v23;
	v33 =	vmul.f32 v25, v23  }
0x29c: {  	v9 =	vld [tilespmem:s1+$0xFFFFFFD0];
	v34 =	vmul.f32 v20, v56;
	v39 =	vmul.f32 v25, v56  }
0x29d: {  	v11 =	vld [tilespmem:s28+$0xFFFFFFD0];
	v24 =	vmul.f32 v19, v23;
	v31 =	vmul.f32 v19, v56  }
0x29e: {  	v13 =	vld [tilespmem:s11+$0xFFFFFFD0];
	v28 =	vmul.f32 v55, v35;
	v26 =	vmul.f32 v22, v35  }
0x29f: {  	v54 =	vld [tilespmem:s17+$0xFFFFFFD0];
	v19 =	vmul.f32 v21, v35;
	v45 =	vmul.f32 v57, v35  }
0x2a0: {  	v14 =	vld [tilespmem:s18+$0xFFFFFFD0];
	v46 =	vmul.f32 v57, v58;
	v35 =	vmul.f32 v55, v58  }
0x2a1: {  	v20 =	vld [tilespmem:s4+$0xFFFFFFD0];
	v32 =	vmul.f32 v22, v58;
	v25 =	vmul.f32 v21, v58  }
0x2a2: {  	v21 =	vld [tilespmem:s17+$0x30];
	v2 =	vmul.f32 v4, v7;
	v10 =	vmul.f32 v52, v7  }
0x2a3: {  	v22 =	vld [tilespmem:s4+$0xFFFFFFC0];
	v12 =	vmul.f32 v4, v6;
	v1 =	vmul.f32 v52, v6  }
0x2a4: {  	v57 =	vld [tilespmem:s1+$0x20];
	v17 =	vmul.f32 v8, v6;
	v16 =	vmul.f32 v8, v7  }
0x2a5: {  	v6 =	vmul.f32 v0, v6;
	v5 =	vmul.f32 v0, v7;
	v8 =	vld [tilespmem:s12+$0xFFFFFFD0]  }
0x2a6: {  	v15 =	vmul.f32 v13, v54;
	v4 =	vmul.f32 v11, v54;
	[tilespmem:$0x1FFA0] =	vst v2;
	v2 =	vld [tilespmem:s18+$0x30]  }
0x2a7: {  	v58 =	vld [tilespmem:s11+$0x20];
	v7 =	vmul.f32 v9, v54;
	v18 =	vmul.f32 v13, v14  }
0x2a8: {  	v0 =	vld [tilespmem:s28+$0x10];
	v13 =	vmul.f32 v11, v14;
	v9 =	vmul.f32 v9, v14  }
0x2a9: {  	v11 =	vld [tilespmem:s28+$0x0];
	v61 =	vmul.f32 v47, v21;
	v52 =	vmul.f32 v63, v21  }
0x2aa: {  	v62 =	vmul.f32 v48, v21;
	v55 =	vmul.f32 v59, v21;
	v21 =	vld [tilespmem:s4+$0xFFFFFFE0]  }
0x2ab: {  	[tilespmem:$0x1FFB0] =	vst v1;
	v1 =	vld [tilespmem:s12+$0x20];
	v27 =	vmul.f32 v8, v54;
	v43 =	vmul.f32 v63, v2;
	v63 =	vadd.s32 $0x1, v60  }
0x2ac: {  	v29 =	vmul.f32 v8, v14;
	v8 =	vld [tilespmem:s1+$0x0];
	v48 =	vmul.f32 v48, v2  }
0x2ad: {  	v14 =	vmul.f32 v53, v23;
	v23 =	vmul.f32 v53, v56;
	v53 =	vld [tilespmem:s1+$0x10]  }
0x2ae: {  	v47 =	vmul.f32 v47, v2;
	[tilespmem:v60+s2+$0x0] =	vst.idx.add.f32.msk $0xffff, v48  }
0x2af: {  	[tilespmem:v60+s25+$0x0] =	vst.idx.add.f32.msk $0xffff, v62  }
0x2b0: {  	v56 =	vmul.f32 v59, v2;
	v59 =	vadd.s32 $0xE0, v60;
	[tilespmem:v63+s2+$0x0] =	vst.idx.add.f32.msk $0xffff, v47  }
0x2b1: {  	v62 =	vmul.f32 v36, v40;
	v47 =	vmul.f32 v36, v37;
	v36 =	vld [tilespmem:s17+$0x0]  }
0x2b2: {  	v42 =	vmul.f32 v57, v44;
	v54 =	vmul.f32 v49, v38;
	[tilespmem:v21+s2+$0x0] =	vst.idx.add.f32.msk $0xffff, v46  }
0x2b3: {  	v2 =	vadd.s32 $0xE1, v60;
	v60 =	vmul.f32 v58, v44;
	v58 =	vmul.f32 v58, v38;
	[tilespmem:v63+s25+$0x0] =	vst.idx.add.f32.msk $0xffff, v61  }
0x2b4: {  	v61 =	vmul.f32 v53, v37;
	v63 =	vmul.f32 v53, v40;
	[tilespmem:v21+s25+$0x0] =	vst.idx.add.f32.msk $0xffff, v45  }
0x2b5: {  	v53 =	vmul.f32 v57, v38;
	[tilespmem:v59+s2+$0x0] =	vst.idx.add.f32.msk $0xffff, v43;
	v43 =	vmul.f32 v49, v44  }
0x2b6: {  	v44 =	vmul.f32 v1, v44;
	v1 =	vmul.f32 v1, v38;
	v38 =	vld [tilespmem:s4+$0xFFFFFFF0]  }
0x2b7: {  	[tilespmem:v59+s25+$0x0] =	vst.idx.add.f32.msk $0xffff, v52  }
0x2b8: {  	v59 =	vld [tilespmem:s4+$0x20]  }
0x2b9: {  	v52 =	vld [tilespmem:s12+$0x0]  }
0x2ba: {  	[tilespmem:v2+s2+$0x0] =	vst.idx.add.f32.msk $0xffff, v56  }
0x2bb: {  	v49 =	vadd.s32 $0x1, v50;
	v56 =	vmul.f32 v0, v37;
	[tilespmem:v2+s25+$0x0] =	vst.idx.add.f32.msk $0xffff, v55  }
0x2bc: {  	v55 =	vmul.f32 v41, v37;
	v41 =	vmul.f32 v41, v40;
	v37 =	vld [tilespmem:s18+$0x0]  }
0x2bd: {  	v0 =	vmul.f32 v0, v40;
	v40 =	vld [tilespmem:s4+$0x0]  }
0x2be: {  	[tilespmem:v50+s2+$0x0] =	vst.idx.add.f32.msk $0xffff, v41  }
0x2bf: {  	v57 =	vadd.s32 $0xE0, v50;
	[tilespmem:v50+s25+$0x0] =	vst.idx.add.f32.msk $0xffff, v55  }
0x2c0: {  	[tilespmem:v49+s2+$0x0] =	vst.idx.add.f32.msk $0xffff, v62  }
0x2c1: {  	[tilespmem:v49+s25+$0x0] =	vst.idx.add.f32.msk $0xffff, v47  }
0x2c2: {  	[tilespmem:v38+s2+$0x0] =	vst.idx.add.f32.msk $0xffff, v39  }
0x2c3: {  	v3 =	vadd.s32 $0xE1, v50;
	[tilespmem:v59+s2+$0x0] =	vst.idx.add.f32.msk $0xffff, v1  }
0x2c4: {  	[tilespmem:v57+s2+$0x0] =	vst.idx.add.f32.msk $0xffff, v0  }
0x2c5: {  	v2 =	vmul.f32 v52, v37;
	[tilespmem:v59+s25+$0x0] =	vst.idx.add.f32.msk $0xffff, v44  }
0x2c6: {  	[tilespmem:v57+s25+$0x0] =	vst.idx.add.f32.msk $0xffff, v56  }
0x2c7: {  	s19 =	sadd.s32 $0x8, s19;
	v0 =	vadd.s32 $0x1, v59;
	[tilespmem:v40+s2+$0x0] =	vst.idx.add.f32.msk $0xffff, v2  }
0x2c8: {  	p2 =	slt.u32 s19, $0x68;
	[tilespmem:v3+s2+$0x0] =	vst.idx.add.f32.msk $0xffff, v63  }
.Ltmp13:
0x2c9: {  	v1 =	vmul.f32 v52, v36;
	v63 =	vld [tilespmem:$0x1FFA0];
	(pc) =	sbr.rel @p2 .LBB2_21-.Ltmp13, $4  }
0x2ca: {  	v48 =	vmul.f32 v51, v36;
	v41 =	vadd.s32 $0x1, v22;
	v45 =	vadd.s32 $0xE0, v38;
	[tilespmem:v3+s25+$0x0] =	vst.idx.add.f32.msk $0xffff, v61  }
0x2cb: {  	v50 =	vadd.s32 $0x1, v21;
	v55 =	vadd.s32 $0x1, v38;
	v46 =	vadd.s32 $0xE0, v59;
	[tilespmem:v40+s25+$0x0] =	vst.idx.add.f32.msk $0xffff, v1  }
0x2cc: {  	s11 =	sadd.s32 $0x80, s11;
	s28 =	sadd.s32 $0x80, s28;
	v49 =	vadd.s32 $0x1, v20;
	v47 =	vadd.s32 $0xE0, v21;
	v52 =	vmul.f32 v51, v37;
	[tilespmem:v0+s2+$0x0] =	vst.idx.add.f32.msk $0xffff, v58  }
0x2cd: {  	s1 =	sadd.s32 $0x80, s1;
	s12 =	sadd.s32 $0x80, s12;
	s4 =	sadd.s32 $0x80, s4;
	v62 =	vmovc v10;
	v51 =	vadd.s32 $0x1, v40;
	v44 =	vadd.s32 $0xE0, v40;
	v56 =	vadd.s32 $0xE1, v59;
	[tilespmem:v0+s25+$0x0] =	vst.idx.add.f32.msk $0xffff, v60  }
0x2ce: {  	_ =	sdelay $0x3  }
0x2cf: {  	[tilespmem:v38+s25+$0x0] =	vst.idx.add.f32.msk $0xffff, v33  }
0x2d0: {  	[tilespmem:v20+s2+$0x0] =	vst.idx.add.f32.msk $0xffff, v29  }
0x2d1: {  	[tilespmem:v46+s2+$0x0] =	vst.idx.add.f32.msk $0xffff, v54  }
0x2d2: {  	[tilespmem:v22+s2+$0x0] =	vst.idx.add.f32.msk $0xffff, v17  }
0x2d3: {  	[tilespmem:v51+s2+$0x0] =	vst.idx.add.f32.msk $0xffff, v52  }
0x2d4: {  	[tilespmem:v50+s2+$0x0] =	vst.idx.add.f32.msk $0xffff, v35  }
0x2d5: {  	[tilespmem:v55+s2+$0x0] =	vst.idx.add.f32.msk $0xffff, v34  }
0x2d6: {  	[tilespmem:v20+s25+$0x0] =	vst.idx.add.f32.msk $0xffff, v27  }
0x2d7: {  	[tilespmem:v46+s25+$0x0] =	vst.idx.add.f32.msk $0xffff, v43  }
0x2d8: {  	[tilespmem:v22+s25+$0x0] =	vst.idx.add.f32.msk $0xffff, v16  }
0x2d9: {  	[tilespmem:v51+s25+$0x0] =	vst.idx.add.f32.msk $0xffff, v48  }
0x2da: {  	[tilespmem:v50+s25+$0x0] =	vst.idx.add.f32.msk $0xffff, v28  }
0x2db: {  	[tilespmem:v56+s2+$0x0] =	vst.idx.add.f32.msk $0xffff, v53  }
0x2dc: {  	v0 =	vmul.f32 v11, v37;
	[tilespmem:v55+s25+$0x0] =	vst.idx.add.f32.msk $0xffff, v30  }
0x2dd: {  	[tilespmem:v41+s2+$0x0] =	vst.idx.add.f32.msk $0xffff, v12  }
0x2de: {  	[tilespmem:v44+s2+$0x0] =	vst.idx.add.f32.msk $0xffff, v0  }
0x2df: {  	[tilespmem:v49+s2+$0x0] =	vst.idx.add.f32.msk $0xffff, v18  }
0x2e0: {  	[tilespmem:v47+s2+$0x0] =	vst.idx.add.f32.msk $0xffff, v32  }
0x2e1: {  	[tilespmem:v56+s25+$0x0] =	vst.idx.add.f32.msk $0xffff, v42  }
0x2e2: {  	[tilespmem:v45+s2+$0x0] =	vst.idx.add.f32.msk $0xffff, v31  }
0x2e3: {  	v1 =	vadd.s32 $0xE0, v20;
	v2 =	vmul.f32 v11, v36;
	[tilespmem:v49+s25+$0x0] =	vst.idx.add.f32.msk $0xffff, v15  }
0x2e4: {  	v3 =	vadd.s32 $0xE1, v38;
	[tilespmem:v47+s25+$0x0] =	vst.idx.add.f32.msk $0xffff, v26  }
0x2e5: {  	[tilespmem:v44+s25+$0x0] =	vst.idx.add.f32.msk $0xffff, v2  }
0x2e6: {  	v56 =	vadd.s32 $0xE1, v40;
	[tilespmem:v41+s25+$0x0] =	vst.idx.add.f32.msk $0xffff, v63  }
0x2e7: {  	[tilespmem:v45+s25+$0x0] =	vst.idx.add.f32.msk $0xffff, v24  }
0x2e8: {  	[tilespmem:v1+s2+$0x0] =	vst.idx.add.f32.msk $0xffff, v13  }
0x2e9: {  	v57 =	vmul.f32 v8, v37;
	[tilespmem:v3+s2+$0x0] =	vst.idx.add.f32.msk $0xffff, v23  }
0x2ea: {  	v58 =	vmul.f32 v8, v36;
	v61 =	vadd.s32 $0xE1, v21;
	[tilespmem:v1+s25+$0x0] =	vst.idx.add.f32.msk $0xffff, v4  }
0x2eb: {  	v63 =	vadd.s32 $0xE1, v20;
	[tilespmem:v56+s2+$0x0] =	vst.idx.add.f32.msk $0xffff, v57  }
0x2ec: {  	[tilespmem:v56+s25+$0x0] =	vst.idx.add.f32.msk $0xffff, v58  }
0x2ed: {  	v4 =	vld [tilespmem:$0x1FFB0]  }
0x2ee: {  	v59 =	vadd.s32 $0xE0, v22;
	[tilespmem:v3+s25+$0x0] =	vst.idx.add.f32.msk $0xffff, v14  }
0x2ef: {  	[tilespmem:v61+s2+$0x0] =	vst.idx.add.f32.msk $0xffff, v25  }
0x2f0: {  	v60 =	vadd.s32 $0xE1, v22;
	[tilespmem:v63+s2+$0x0] =	vst.idx.add.f32.msk $0xffff, v9  }
0x2f1: {  	[tilespmem:v63+s25+$0x0] =	vst.idx.add.f32.msk $0xffff, v7  }
.Ltmp14:
0x2f2: {  	[tilespmem:v61+s25+$0x0] =	vst.idx.add.f32.msk $0xffff, v19;
	(pc) =	sbr.rel @p1 .LBB2_24-.Ltmp14, $4  }
0x2f3: {  	[tilespmem:v59+s2+$0x0] =	vst.idx.add.f32.msk $0xffff, v4  }
0x2f4: {  	[tilespmem:v59+s25+$0x0] =	vst.idx.add.f32.msk $0xffff, v62  }
0x2f5: {  	[tilespmem:v60+s2+$0x0] =	vst.idx.add.f32.msk $0xffff, v6  }
0x2f6: {  	[tilespmem:v60+s25+$0x0] =	vst.idx.add.f32.msk $0xffff, v5  }
0x2f7: {  	s1 =	smul.u32 $0xE00, s16;
	_ =	sdelay $0x1  }
0x2f8: {  	s1 =	sadd.s32 $0x1500, s1  }
0x2f9: {  	s4 =	sadd.s32 @!p0 s29, s1  }
0x2fa: {  	s4 =	sshrl.u32 @!p0 s4, $0x3  }
0x2fb: {  	s11 =	simm.s32 @!p0 $0x0;
	s12 =	simm.s32 @!p0 $0x1BCC0;
	s4 =	sadd.s32 @!p0 s3, s4  }
0x2fc: {  	[tilespmem:s12], [sflag:$0x2] =	stream.linear.gather @!p0 [hbm4b:s4+s11], $0x700, $0x38;
	[tilespmem:$0x1EDC0] =	vst v63  }
0x2fd: {  	s4 =	sadd.s32 @!p0 s1, s15  }
0x2fe: {  	s1 =	sadd.s32 s13, s1;
	s4 =	sshrl.u32 @!p0 s4, $0x3  }
0x2ff: {  	s12 =	simm.s32 @!p0 $0x1C3C0;
	s1 =	sshrl.u32 s1, $0x3;
	s4 =	sadd.s32 @!p0 s3, s4  }
0x300: {  	[tilespmem:s12], [sflag:$0x2] =	stream.linear.gather @!p0 [hbm4b:s4+s11], $0x700, $0x38;
	[tilespmem:$0x1EDC0] =	vst v63  }
0x301: {  	s17 =	sadd.s32 s5, s1  }
0x302: {  	[tilespmem:s20], [sflag:$0x2] =	stream.linear.gather [hbm4b:s17+s2], $0x700, $0x38;
	[tilespmem:$0x1EDC0] =	vst v63  }
0x303: {  	s18 =	sadd.s32 s6, s1  }
0x304: {  	[tilespmem:s21], [sflag:$0x2] =	stream.linear.gather [hbm4b:s18+s2], $0x700, $0x38;
	[tilespmem:$0x1EDC0] =	vst v63  }
0x305: {  	s19 =	sadd.s32 s8, s1  }
0x306: {  	[tilespmem:s22], [sflag:$0x2] =	stream.linear.gather [hbm4b:s19+s2], $0x700, $0x38;
	[tilespmem:$0x1EDC0] =	vst v63  }
.Ltmp15:
0x307: {  	_ = 	snop;
	(pc) =	sbr.rel .LBB2_18-.Ltmp15, $4  }
0x308: {  	s28 =	sadd.s32 s9, s1  }
0x309: {  	[tilespmem:s23], [sflag:$0x2] =	stream.linear.gather [hbm4b:s28+s2], $0x700, $0x38;
	[tilespmem:$0x1EDC0] =	vst v63  }
0x30a: {  	s16 =	sadd.s32 $0x1, s16;
	s1 =	sadd.s32 s10, s1  }
0x30b: {  	[tilespmem:s24], [sflag:$0x2] =	stream.linear.gather [hbm4b:s1+s2], $0x700, $0x38;
	[tilespmem:$0x1EDC0] =	vst v63  }
.LBB2_27:
0x30c: {  	_ =	sfence.sel $0x180000  }
0x30d: {  	[bflag:$0x0] =	sbarrier.arrive $0xFFFF  }
0x30e: {  	_ =	strace $0x90000047  }
0x30f: {  	s0 =	stileid.u32;
	[bflag:$0x2] =	sbarrier.arrive $0xFFFF  }
0x310: {  	p0 =	sne.s32 s0, $0x0;
	s0 =	rddreg [dreg:$0x2]  }
0x311: {  	s0 =	sadd.s32 @!p0 $0x100000, s0  }
0x312: {  	[sflag:s0] =	ssyncadd.tile.s32 @!p0 $0x1;
	_ =	shalt  }
.Lfunc_end2:
_tile_overlayer_lowered:
.L_overlay_start_2:
0x313: {  	(tag) =	ssettag $0x2  }
0x314: {  	s0 =	rddreg [dreg:$0x0];
	s2 =	stileid.u32  }
0x315: {  	s1 =	rddreg [dreg:$0x1];
	p0 =	sne.s32 s2, $0x0  }
0x316: {  	s3 =	rddreg [dreg:$0x2];
	[bflag:$0x3] =	sbarrier.arrive $0xFFFF;
	s2 =	simm.s32 @!p0 $0x1C03  }
0x317: {  	[timem:s3], [sflag:s2] =	dma.local @!p0 [hbm:s0], s1  }
0x318: {  	s0 =	simm.s32 @!p0 $0x3  }
0x319: {  	_ =	swait.ge @!p0 [sflag:s0], s1  }
0x31a: {  	s1 =	ssub.s32 @!p0 $0x0, s1;
	[sflag:s0] =	ssyncset.done @!p0 $0x0  }
0x31b: {  	[sflag:s0] =	ssyncadd.s32 @!p0 s1  }
0x31c: {  	[bflag:$0x3] =	sbarrier.arrive $0xFFFF  }
0x31d: {  	_ =	shalt  }

</sc_bundles>
